<compile_context>
chip_gen: v7x
topology: tpu7x:2x2x1
jax: 0.10.2.dev20260603
libtpu: 0.0.44.dev20260713+nightly
codegen_flags: <defaults>
</compile_context>

<pallas_src>
import jax
import jax.numpy as jnp
from jax import lax
from jax.experimental import pallas as pl
from jax.experimental.pallas import tpu as pltpu
from jax.experimental.pallas import tpu_sc as plsc

BATCH = 16384
TITLE_DIM = 32
LOC_DIM = 31
OUT_DIM = TITLE_DIM + 1 + LOC_DIM

_NC = 2
_NS = 16
_NW = _NC * _NS
_BW = BATCH // _NW
_R = 8


def _body(title_hbm, grade_hbm, loc_hbm, ttab_hbm, ltab_hbm, out_hbm,
          tidx_v, lidx_v, g_v, c_v, *stages_and_sems):
    tstages = stages_and_sems[0:_R]
    lstages = stages_and_sems[_R:2 * _R]
    sem_t = stages_and_sems[2 * _R]
    sem_l = stages_and_sems[2 * _R + 1]

    wid = lax.axis_index("s") * _NC + lax.axis_index("c")
    base = wid * _BW

    pltpu.sync_copy(title_hbm.at[pl.ds(base, _BW)], tidx_v.at[pl.ds(0, _BW)])
    pltpu.sync_copy(loc_hbm.at[pl.ds(base, _BW)], lidx_v.at[pl.ds(0, _BW)])
    pltpu.sync_copy(grade_hbm.at[pl.ds(base, _BW)], g_v.at[pl.ds(0, _BW)])

    def fetch(r, slot):
        ti = tidx_v[pl.ds(r, 16)][0]
        li = lidx_v[pl.ds(r, 16)][0]
        pltpu.make_async_copy(ttab_hbm.at[ti], tstages[slot],
                              sem_t.at[slot]).start()
        pltpu.make_async_copy(ltab_hbm.at[li], lstages[slot],
                              sem_l.at[slot]).start()

    for j in range(_R):
        fetch(j, j)

    lane = lax.iota(jnp.int32, 16)

    def group(gidx, _):
        r0 = gidx * _R
        for j in range(_R):
            r = r0 + j
            pltpu.make_async_copy(ttab_hbm.at[0], tstages[j],
                                  sem_t.at[j]).wait()
            pltpu.make_async_copy(ltab_hbm.at[0], lstages[j],
                                  sem_l.at[j]).wait()
            o = r * OUT_DIM
            c_v[pl.ds(o, 16)] = tstages[j][pl.ds(0, 16)]
            c_v[pl.ds(o + 16, 16)] = tstages[j][pl.ds(16, 16)]
            c_v[pl.ds(o + 33, 16)] = lstages[j][pl.ds(0, 16)]
            c_v[pl.ds(o + 48, 16)] = lstages[j][pl.ds(15, 16)]
            g = g_v[pl.ds(r, 16)][0]
            m = c_v[pl.ds(o + 32, 16)]
            c_v[pl.ds(o + 32, 16)] = jnp.where(lane == 0, g, m)

            @pl.when(r + _R < _BW)
            def _():
                fetch(r + _R, j)
        return 0

    lax.fori_loop(0, _BW // _R, group, 0)

    pltpu.sync_copy(c_v, out_hbm.at[pl.ds(base * OUT_DIM, _BW * OUT_DIM)])


@jax.jit
def _run(title, grade, location, title_table, location_table):
    mesh = plsc.VectorSubcoreMesh(core_axis_name="c", subcore_axis_name="s")
    scratch = (
        [pltpu.VMEM((_BW + 16,), jnp.int32),
         pltpu.VMEM((_BW + 16,), jnp.int32),
         pltpu.VMEM((_BW + 16,), jnp.float32),
         pltpu.VMEM((_BW * OUT_DIM,), jnp.float32)]
        + [pltpu.VMEM((TITLE_DIM,), jnp.float32) for _ in range(_R)]
        + [pltpu.VMEM((LOC_DIM,), jnp.float32) for _ in range(_R)]
        + [pltpu.SemaphoreType.DMA((_R,)), pltpu.SemaphoreType.DMA((_R,))]
    )
    k = pl.kernel(
        _body,
        out_type=jax.ShapeDtypeStruct((BATCH * OUT_DIM,), jnp.float32),
        mesh=mesh,
        compiler_params=pltpu.CompilerParams(use_tc_tiling_on_sc=True),
        scratch_types=scratch,
    )
    flat = k(title, grade, location, title_table, location_table)
    return flat.reshape(BATCH, OUT_DIM)


def kernel(title, grade, location, title_table, location_table):
    return _run(title.astype(jnp.int32), grade.astype(jnp.float32),
                location.astype(jnp.int32), title_table, location_table)

# --- scband reference (transcript-rebuilt; emitter-appended) ---
"""Pipeline reference for scband-activity-model-5514738008263 (READ-ONLY COPY).

The authoritative reference and input builder live on the scoring server;
editing this copy changes nothing except your own understanding.
"""

import jax, jax.numpy as jnp
import numpy as np

TITLE_VOCAB = 100000
LOC_VOCAB = 100000
BATCH = 16384
TITLE_DIM = 32
LOC_DIM = 31

def setup_inputs(seed: int = 0) -> dict:
    key = jax.random.key(seed)
    k1, k2, k3, k4, k5 = jax.random.split(key, 5)
    # StringLookup output modeled as already-resolved integer indices.
    # title table has vocab+1 rows (OOV), location table has vocab+2 rows (per original code).
    title = jax.random.randint(k1, (BATCH,), 0, TITLE_VOCAB + 1, dtype=jnp.int64)
    grade = jax.random.uniform(k2, (BATCH,), dtype=jnp.float32)
    location = jax.random.randint(k3, (BATCH,), 0, LOC_VOCAB + 2, dtype=jnp.int64)
    title_table = jax.random.normal(k4, (TITLE_VOCAB + 1, TITLE_DIM), dtype=jnp.float32) * 0.05
    location_table = jax.random.normal(k5, (LOC_VOCAB + 2, LOC_DIM), dtype=jnp.float32) * 0.05
    return {"title": title, "grade": grade, "location": location,
            "title_table": title_table, "location_table": location_table}

def reference(title, grade, location, title_table, location_table):
    # title_lookup + title_embedding -> pure gather on pre-resolved indices
    title_embed = jnp.take(title_table, title, axis=0)
    # grade: expand_dims + cast to float32
    grade_embed = jnp.expand_dims(grade.astype(jnp.float32), axis=-1)
    # location_lookup + location_embedding -> gather
    location_embeddings = jnp.take(location_table, location, axis=0)
    embeddings = jnp.concatenate([title_embed, grade_embed, location_embeddings], axis=-1)
    return embeddings

if __name__ == "__main__":
    import jax
    _d = setup_inputs()
    print(jax.jit(kernel)(*tuple(_d.values())))

</pallas_src>

<mosaic_0001>
#map = affine_map<(d0, d1) -> (0)>
#map1 = affine_map<(d0, d1) -> (0, 0)>
module attributes {stable_mosaic.version = 14 : i64} {
  func.func @_body(%arg0: i32, %arg1: i32, %arg2: memref<16384xi32, #tpu.memory_space<hbm>>, %arg3: memref<16384xf32, #tpu.memory_space<hbm>>, %arg4: memref<16384xi32, #tpu.memory_space<hbm>>, %arg5: memref<100001x32xf32, #tpu.memory_space<hbm>>, %arg6: memref<100002x31xf32, #tpu.memory_space<hbm>>, %arg7: memref<1048576xf32, #tpu.memory_space<hbm>>, %arg8: memref<528xi32, #tpu.memory_space<vmem>>, %arg9: memref<528xi32, #tpu.memory_space<vmem>>, %arg10: memref<528xf32, #tpu.memory_space<vmem>>, %arg11: memref<32768xf32, #tpu.memory_space<vmem>>, %arg12: memref<32xf32, #tpu.memory_space<vmem>>, %arg13: memref<32xf32, #tpu.memory_space<vmem>>, %arg14: memref<32xf32, #tpu.memory_space<vmem>>, %arg15: memref<32xf32, #tpu.memory_space<vmem>>, %arg16: memref<32xf32, #tpu.memory_space<vmem>>, %arg17: memref<32xf32, #tpu.memory_space<vmem>>, %arg18: memref<32xf32, #tpu.memory_space<vmem>>, %arg19: memref<32xf32, #tpu.memory_space<vmem>>, %arg20: memref<31xf32, #tpu.memory_space<vmem>>, %arg21: memref<31xf32, #tpu.memory_space<vmem>>, %arg22: memref<31xf32, #tpu.memory_space<vmem>>, %arg23: memref<31xf32, #tpu.memory_space<vmem>>, %arg24: memref<31xf32, #tpu.memory_space<vmem>>, %arg25: memref<31xf32, #tpu.memory_space<vmem>>, %arg26: memref<31xf32, #tpu.memory_space<vmem>>, %arg27: memref<31xf32, #tpu.memory_space<vmem>>, %arg28: memref<8x!tpu.dma_semaphore, #tpu.memory_space<semaphore_mem>>, %arg29: memref<8x!tpu.dma_semaphore, #tpu.memory_space<semaphore_mem>>) attributes {dimension_semantics = [#tpu.dimension_semantics<core_parallel>, #tpu.dimension_semantics<subcore_parallel>], iteration_bounds = array<i64: 2, 16>, scalar_prefetch = 0 : i64, scratch_operands = 22 : i64, tpu.core_type = #tpu.core_type<sc_vector_subcore>, window_params = [{transform_indices = #map}, {transform_indices = #map}, {transform_indices = #map}, {transform_indices = #map1}, {transform_indices = #map1}, {transform_indices = #map}]} {
    %mul3A = arith.constant 2 : i32
    %mul3A_0 = arith.muli %arg1, %mul3A : i32
    %add3A = arith.addi %mul3A_0, %arg0 : i32
    %mul3A_1 = arith.constant 512 : i32
    %mul3A_2 = arith.muli %add3A, %mul3A_1 : i32
    "tpu.region"() ({
      %run_scoped3A = tpu.sem_alloc : memref<!tpu.dma_semaphore, #tpu.memory_space<semaphore_mem>>
      %dma_start3A_231 = arith.constant 0 : i32
      %dma_start3A_232 = tpu.memref_slice %arg8[%dma_start3A_231] : memref<528xi32, #tpu.memory_space<vmem>> -> memref<512xi32, #tpu.memory_space<vmem>>
      %dma_start3A_233 = tpu.memref_slice %arg2[%mul3A_2] : memref<16384xi32, #tpu.memory_space<hbm>> -> memref<512xi32, #tpu.memory_space<hbm>>
      %dma_start3A_234 = arith.constant 0 : i32
      %dma_start3A_235 = tpu.memref_slice %arg8[%dma_start3A_234] : memref<528xi32, #tpu.memory_space<vmem>> -> memref<512xi32, #tpu.memory_space<vmem>>
      %dma_start3A_236 = tpu.memref_slice %arg2[%mul3A_2] : memref<16384xi32, #tpu.memory_space<hbm>> -> memref<512xi32, #tpu.memory_space<hbm>>
      tpu.enqueue_dma source(%dma_start3A_236 : memref<512xi32, #tpu.memory_space<hbm>>) target(%dma_start3A_235 : memref<512xi32, #tpu.memory_space<vmem>>) target_semaphore(%run_scoped3A : memref<!tpu.dma_semaphore, #tpu.memory_space<semaphore_mem>>)
      %dma_wait3A = arith.constant 0 : i32
      %dma_wait3A_237 = tpu.memref_slice %arg8[%dma_wait3A] : memref<528xi32, #tpu.memory_space<vmem>> -> memref<512xi32, #tpu.memory_space<vmem>>
      %dma_wait3A_238 = tpu.memref_slice %arg2[%mul3A_2] : memref<16384xi32, #tpu.memory_space<hbm>> -> memref<512xi32, #tpu.memory_space<hbm>>
      %dma_wait3A_239 = arith.constant 0 : i32
      %dma_wait3A_240 = tpu.memref_slice %arg8[%dma_wait3A_239] : memref<528xi32, #tpu.memory_space<vmem>> -> memref<512xi32, #tpu.memory_space<vmem>>
      %dma_wait3A_241 = tpu.memref_slice %arg2[%mul3A_2] : memref<16384xi32, #tpu.memory_space<hbm>> -> memref<512xi32, #tpu.memory_space<hbm>>
      tpu.wait_dma2 semaphore(%run_scoped3A : memref<!tpu.dma_semaphore, #tpu.memory_space<semaphore_mem>>) src(%dma_wait3A_241 : memref<512xi32, #tpu.memory_space<hbm>>) dst(%dma_wait3A_240 : memref<512xi32, #tpu.memory_space<vmem>>)
      tpu.yield
    }) : () -> ()
    "tpu.region"() ({
      %run_scoped3A = tpu.sem_alloc : memref<!tpu.dma_semaphore, #tpu.memory_space<semaphore_mem>>
      %dma_start3A_231 = arith.constant 0 : i32
      %dma_start3A_232 = tpu.memref_slice %arg9[%dma_start3A_231] : memref<528xi32, #tpu.memory_space<vmem>> -> memref<512xi32, #tpu.memory_space<vmem>>
      %dma_start3A_233 = tpu.memref_slice %arg4[%mul3A_2] : memref<16384xi32, #tpu.memory_space<hbm>> -> memref<512xi32, #tpu.memory_space<hbm>>
      %dma_start3A_234 = arith.constant 0 : i32
      %dma_start3A_235 = tpu.memref_slice %arg9[%dma_start3A_234] : memref<528xi32, #tpu.memory_space<vmem>> -> memref<512xi32, #tpu.memory_space<vmem>>
      %dma_start3A_236 = tpu.memref_slice %arg4[%mul3A_2] : memref<16384xi32, #tpu.memory_space<hbm>> -> memref<512xi32, #tpu.memory_space<hbm>>
      tpu.enqueue_dma source(%dma_start3A_236 : memref<512xi32, #tpu.memory_space<hbm>>) target(%dma_start3A_235 : memref<512xi32, #tpu.memory_space<vmem>>) target_semaphore(%run_scoped3A : memref<!tpu.dma_semaphore, #tpu.memory_space<semaphore_mem>>)
      %dma_wait3A = arith.constant 0 : i32
      %dma_wait3A_237 = tpu.memref_slice %arg9[%dma_wait3A] : memref<528xi32, #tpu.memory_space<vmem>> -> memref<512xi32, #tpu.memory_space<vmem>>
      %dma_wait3A_238 = tpu.memref_slice %arg4[%mul3A_2] : memref<16384xi32, #tpu.memory_space<hbm>> -> memref<512xi32, #tpu.memory_space<hbm>>
      %dma_wait3A_239 = arith.constant 0 : i32
      %dma_wait3A_240 = tpu.memref_slice %arg9[%dma_wait3A_239] : memref<528xi32, #tpu.memory_space<vmem>> -> memref<512xi32, #tpu.memory_space<vmem>>
      %dma_wait3A_241 = tpu.memref_slice %arg4[%mul3A_2] : memref<16384xi32, #tpu.memory_space<hbm>> -> memref<512xi32, #tpu.memory_space<hbm>>
      tpu.wait_dma2 semaphore(%run_scoped3A : memref<!tpu.dma_semaphore, #tpu.memory_space<semaphore_mem>>) src(%dma_wait3A_241 : memref<512xi32, #tpu.memory_space<hbm>>) dst(%dma_wait3A_240 : memref<512xi32, #tpu.memory_space<vmem>>)
      tpu.yield
    }) : () -> ()
    "tpu.region"() ({
      %run_scoped3A = tpu.sem_alloc : memref<!tpu.dma_semaphore, #tpu.memory_space<semaphore_mem>>
      %dma_start3A_231 = arith.constant 0 : i32
      %dma_start3A_232 = tpu.memref_slice %arg10[%dma_start3A_231] : memref<528xf32, #tpu.memory_space<vmem>> -> memref<512xf32, #tpu.memory_space<vmem>>
      %dma_start3A_233 = tpu.memref_slice %arg3[%mul3A_2] : memref<16384xf32, #tpu.memory_space<hbm>> -> memref<512xf32, #tpu.memory_space<hbm>>
      %dma_start3A_234 = arith.constant 0 : i32
      %dma_start3A_235 = tpu.memref_slice %arg10[%dma_start3A_234] : memref<528xf32, #tpu.memory_space<vmem>> -> memref<512xf32, #tpu.memory_space<vmem>>
      %dma_start3A_236 = tpu.memref_slice %arg3[%mul3A_2] : memref<16384xf32, #tpu.memory_space<hbm>> -> memref<512xf32, #tpu.memory_space<hbm>>
      tpu.enqueue_dma source(%dma_start3A_236 : memref<512xf32, #tpu.memory_space<hbm>>) target(%dma_start3A_235 : memref<512xf32, #tpu.memory_space<vmem>>) target_semaphore(%run_scoped3A : memref<!tpu.dma_semaphore, #tpu.memory_space<semaphore_mem>>)
      %dma_wait3A = arith.constant 0 : i32
      %dma_wait3A_237 = tpu.memref_slice %arg10[%dma_wait3A] : memref<528xf32, #tpu.memory_space<vmem>> -> memref<512xf32, #tpu.memory_space<vmem>>
      %dma_wait3A_238 = tpu.memref_slice %arg3[%mul3A_2] : memref<16384xf32, #tpu.memory_space<hbm>> -> memref<512xf32, #tpu.memory_space<hbm>>
      %dma_wait3A_239 = arith.constant 0 : i32
      %dma_wait3A_240 = tpu.memref_slice %arg10[%dma_wait3A_239] : memref<528xf32, #tpu.memory_space<vmem>> -> memref<512xf32, #tpu.memory_space<vmem>>
      %dma_wait3A_241 = tpu.memref_slice %arg3[%mul3A_2] : memref<16384xf32, #tpu.memory_space<hbm>> -> memref<512xf32, #tpu.memory_space<hbm>>
      tpu.wait_dma2 semaphore(%run_scoped3A : memref<!tpu.dma_semaphore, #tpu.memory_space<semaphore_mem>>) src(%dma_wait3A_241 : memref<512xf32, #tpu.memory_space<hbm>>) dst(%dma_wait3A_240 : memref<512xf32, #tpu.memory_space<vmem>>)
      tpu.yield
    }) : () -> ()
    %get3A = arith.constant 0 : index
    %get3A_3 = tpu.vector_load %arg8[%get3A] {strides = array<i32>} : memref<528xi32, #tpu.memory_space<vmem>>, vector<16xi32>,
    %get3A_4 = vector.shape_cast %get3A_3 : vector<16xi32> to vector<16xi32>
    %slice3A = vector.extract_strided_slice %get3A_4 {offsets = [0], sizes = [1], strides = [1]} : vector<16xi32> to vector<1xi32>
    %squeeze3A = vector.extract %slice3A[0] : i32 from vector<1xi32>
    %get3A_5 = arith.constant 0 : index
    %get3A_6 = tpu.vector_load %arg9[%get3A_5] {strides = array<i32>} : memref<528xi32, #tpu.memory_space<vmem>>, vector<16xi32>,
    %get3A_7 = vector.shape_cast %get3A_6 : vector<16xi32> to vector<16xi32>
    %slice3A_8 = vector.extract_strided_slice %get3A_7 {offsets = [0], sizes = [1], strides = [1]} : vector<16xi32> to vector<1xi32>
    %squeeze3A_9 = vector.extract %slice3A_8[0] : i32 from vector<1xi32>
    %dma_start3A = arith.constant 0 : i32
    %dma_start3A_10 = arith.constant 0 : i32
    %dma_start3A_11 = tpu.memref_slice %arg5[%squeeze3A, %dma_start3A_10] : memref<100001x32xf32, #tpu.memory_space<hbm>> -> memref<1x32xf32, #tpu.memory_space<hbm>>
    %dma_start3A_12 = tpu.memref_squeeze %dma_start3A_11 : memref<1x32xf32, #tpu.memory_space<hbm>> -> memref<32xf32, #tpu.memory_space<hbm>>
    %dma_start3A_13 = tpu.memref_slice %arg28[%dma_start3A] : memref<8x!tpu.dma_semaphore, #tpu.memory_space<semaphore_mem>> -> memref<1x!tpu.dma_semaphore, #tpu.memory_space<semaphore_mem>>
    %dma_start3A_14 = tpu.memref_squeeze %dma_start3A_13 : memref<1x!tpu.dma_semaphore, #tpu.memory_space<semaphore_mem>> -> memref<!tpu.dma_semaphore, #tpu.memory_space<semaphore_mem>>
    %dma_start3A_15 = arith.constant 0 : i32
    %dma_start3A_16 = tpu.memref_slice %arg5[%squeeze3A, %dma_start3A_15] : memref<100001x32xf32, #tpu.memory_space<hbm>> -> memref<1x32xf32, #tpu.memory_space<hbm>>
    %dma_start3A_17 = tpu.memref_squeeze %dma_start3A_16 : memref<1x32xf32, #tpu.memory_space<hbm>> -> memref<32xf32, #tpu.memory_space<hbm>>
    tpu.enqueue_dma source(%dma_start3A_17 : memref<32xf32, #tpu.memory_space<hbm>>) target(%arg12 : memref<32xf32, #tpu.memory_space<vmem>>) target_semaphore(%dma_start3A_14 : memref<!tpu.dma_semaphore, #tpu.memory_space<semaphore_mem>>)
    %dma_start3A_18 = arith.constant 0 : i32
    %dma_start3A_19 = arith.constant 0 : i32
    %dma_start3A_20 = tpu.memref_slice %arg6[%squeeze3A_9, %dma_start3A_19] : memref<100002x31xf32, #tpu.memory_space<hbm>> -> memref<1x31xf32, #tpu.memory_space<hbm>>
    %dma_start3A_21 = tpu.memref_squeeze %dma_start3A_20 : memref<1x31xf32, #tpu.memory_space<hbm>> -> memref<31xf32, #tpu.memory_space<hbm>>
    %dma_start3A_22 = tpu.memref_slice %arg29[%dma_start3A_18] : memref<8x!tpu.dma_semaphore, #tpu.memory_space<semaphore_mem>> -> memref<1x!tpu.dma_semaphore, #tpu.memory_space<semaphore_mem>>
    %dma_start3A_23 = tpu.memref_squeeze %dma_start3A_22 : memref<1x!tpu.dma_semaphore, #tpu.memory_space<semaphore_mem>> -> memref<!tpu.dma_semaphore, #tpu.memory_space<semaphore_mem>>
    %dma_start3A_24 = arith.constant 0 : i32
    %dma_start3A_25 = tpu.memref_slice %arg6[%squeeze3A_9, %dma_start3A_24] : memref<100002x31xf32, #tpu.memory_space<hbm>> -> memref<1x31xf32, #tpu.memory_space<hbm>>
    %dma_start3A_26 = tpu.memref_squeeze %dma_start3A_25 : memref<1x31xf32, #tpu.memory_space<hbm>> -> memref<31xf32, #tpu.memory_space<hbm>>
    tpu.enqueue_dma source(%dma_start3A_26 : memref<31xf32, #tpu.memory_space<hbm>>) target(%arg20 : memref<31xf32, #tpu.memory_space<vmem>>) target_semaphore(%dma_start3A_23 : memref<!tpu.dma_semaphore, #tpu.memory_space<semaphore_mem>>)
    %get3A_27 = arith.constant 1 : index
    %get3A_28 = tpu.vector_load %arg8[%get3A_27] {strides = array<i32>} : memref<528xi32, #tpu.memory_space<vmem>>, vector<16xi32>,
    %get3A_29 = vector.shape_cast %get3A_28 : vector<16xi32> to vector<16xi32>
    %slice3A_30 = vector.extract_strided_slice %get3A_29 {offsets = [0], sizes = [1], strides = [1]} : vector<16xi32> to vector<1xi32>
    %squeeze3A_31 = vector.extract %slice3A_30[0] : i32 from vector<1xi32>
    %get3A_32 = arith.constant 1 : index
    %get3A_33 = tpu.vector_load %arg9[%get3A_32] {strides = array<i32>} : memref<528xi32, #tpu.memory_space<vmem>>, vector<16xi32>,
    %get3A_34 = vector.shape_cast %get3A_33 : vector<16xi32> to vector<16xi32>
    %slice3A_35 = vector.extract_strided_slice %get3A_34 {offsets = [0], sizes = [1], strides = [1]} : vector<16xi32> to vector<1xi32>
    %squeeze3A_36 = vector.extract %slice3A_35[0] : i32 from vector<1xi32>
    %dma_start3A_37 = arith.constant 1 : i32
    %dma_start3A_38 = arith.constant 0 : i32
    %dma_start3A_39 = tpu.memref_slice %arg5[%squeeze3A_31, %dma_start3A_38] : memref<100001x32xf32, #tpu.memory_space<hbm>> -> memref<1x32xf32, #tpu.memory_space<hbm>>
    %dma_start3A_40 = tpu.memref_squeeze %dma_start3A_39 : memref<1x32xf32, #tpu.memory_space<hbm>> -> memref<32xf32, #tpu.memory_space<hbm>>
    %dma_start3A_41 = tpu.memref_slice %arg28[%dma_start3A_37] : memref<8x!tpu.dma_semaphore, #tpu.memory_space<semaphore_mem>> -> memref<1x!tpu.dma_semaphore, #tpu.memory_space<semaphore_mem>>
    %dma_start3A_42 = tpu.memref_squeeze %dma_start3A_41 : memref<1x!tpu.dma_semaphore, #tpu.memory_space<semaphore_mem>> -> memref<!tpu.dma_semaphore, #tpu.memory_space<semaphore_mem>>
    %dma_start3A_43 = arith.constant 0 : i32
    %dma_start3A_44 = tpu.memref_slice %arg5[%squeeze3A_31, %dma_start3A_43] : memref<100001x32xf32, #tpu.memory_space<hbm>> -> memref<1x32xf32, #tpu.memory_space<hbm>>
    %dma_start3A_45 = tpu.memref_squeeze %dma_start3A_44 : memref<1x32xf32, #tpu.memory_space<hbm>> -> memref<32xf32, #tpu.memory_space<hbm>>
    tpu.enqueue_dma source(%dma_start3A_45 : memref<32xf32, #tpu.memory_space<hbm>>) target(%arg13 : memref<32xf32, #tpu.memory_space<vmem>>) target_semaphore(%dma_start3A_42 : memref<!tpu.dma_semaphore, #tpu.memory_space<semaphore_mem>>)
    %dma_start3A_46 = arith.constant 1 : i32
    %dma_start3A_47 = arith.constant 0 : i32
    %dma_start3A_48 = tpu.memref_slice %arg6[%squeeze3A_36, %dma_start3A_47] : memref<100002x31xf32, #tpu.memory_space<hbm>> -> memref<1x31xf32, #tpu.memory_space<hbm>>
    %dma_start3A_49 = tpu.memref_squeeze %dma_start3A_48 : memref<1x31xf32, #tpu.memory_space<hbm>> -> memref<31xf32, #tpu.memory_space<hbm>>
    %dma_start3A_50 = tpu.memref_slice %arg29[%dma_start3A_46] : memref<8x!tpu.dma_semaphore, #tpu.memory_space<semaphore_mem>> -> memref<1x!tpu.dma_semaphore, #tpu.memory_space<semaphore_mem>>
    %dma_start3A_51 = tpu.memref_squeeze %dma_start3A_50 : memref<1x!tpu.dma_semaphore, #tpu.memory_space<semaphore_mem>> -> memref<!tpu.dma_semaphore, #tpu.memory_space<semaphore_mem>>
    %dma_start3A_52 = arith.constant 0 : i32
    %dma_start3A_53 = tpu.memref_slice %arg6[%squeeze3A_36, %dma_start3A_52] : memref<100002x31xf32, #tpu.memory_space<hbm>> -> memref<1x31xf32, #tpu.memory_space<hbm>>
    %dma_start3A_54 = tpu.memref_squeeze %dma_start3A_53 : memref<1x31xf32, #tpu.memory_space<hbm>> -> memref<31xf32, #tpu.memory_space<hbm>>
    tpu.enqueue_dma source(%dma_start3A_54 : memref<31xf32, #tpu.memory_space<hbm>>) target(%arg21 : memref<31xf32, #tpu.memory_space<vmem>>) target_semaphore(%dma_start3A_51 : memref<!tpu.dma_semaphore, #tpu.memory_space<semaphore_mem>>)
    %get3A_55 = arith.constant 2 : index
    %get3A_56 = tpu.vector_load %arg8[%get3A_55] {strides = array<i32>} : memref<528xi32, #tpu.memory_space<vmem>>, vector<16xi32>,
    %get3A_57 = vector.shape_cast %get3A_56 : vector<16xi32> to vector<16xi32>
    %slice3A_58 = vector.extract_strided_slice %get3A_57 {offsets = [0], sizes = [1], strides = [1]} : vector<16xi32> to vector<1xi32>
    %squeeze3A_59 = vector.extract %slice3A_58[0] : i32 from vector<1xi32>
    %get3A_60 = arith.constant 2 : index
    %get3A_61 = tpu.vector_load %arg9[%get3A_60] {strides = array<i32>} : memref<528xi32, #tpu.memory_space<vmem>>, vector<16xi32>,
    %get3A_62 = vector.shape_cast %get3A_61 : vector<16xi32> to vector<16xi32>
    %slice3A_63 = vector.extract_strided_slice %get3A_62 {offsets = [0], sizes = [1], strides = [1]} : vector<16xi32> to vector<1xi32>
    %squeeze3A_64 = vector.extract %slice3A_63[0] : i32 from vector<1xi32>
    %dma_start3A_65 = arith.constant 2 : i32
    %dma_start3A_66 = arith.constant 0 : i32
    %dma_start3A_67 = tpu.memref_slice %arg5[%squeeze3A_59, %dma_start3A_66] : memref<100001x32xf32, #tpu.memory_space<hbm>> -> memref<1x32xf32, #tpu.memory_space<hbm>>
    %dma_start3A_68 = tpu.memref_squeeze %dma_start3A_67 : memref<1x32xf32, #tpu.memory_space<hbm>> -> memref<32xf32, #tpu.memory_space<hbm>>
    %dma_start3A_69 = tpu.memref_slice %arg28[%dma_start3A_65] : memref<8x!tpu.dma_semaphore, #tpu.memory_space<semaphore_mem>> -> memref<1x!tpu.dma_semaphore, #tpu.memory_space<semaphore_mem>>
    %dma_start3A_70 = tpu.memref_squeeze %dma_start3A_69 : memref<1x!tpu.dma_semaphore, #tpu.memory_space<semaphore_mem>> -> memref<!tpu.dma_semaphore, #tpu.memory_space<semaphore_mem>>
    %dma_start3A_71 = arith.constant 0 : i32
    %dma_start3A_72 = tpu.memref_slice %arg5[%squeeze3A_59, %dma_start3A_71] : memref<100001x32xf32, #tpu.memory_space<hbm>> -> memref<1x32xf32, #tpu.memory_space<hbm>>
    %dma_start3A_73 = tpu.memref_squeeze %dma_start3A_72 : memref<1x32xf32, #tpu.memory_space<hbm>> -> memref<32xf32, #tpu.memory_space<hbm>>
    tpu.enqueue_dma source(%dma_start3A_73 : memref<32xf32, #tpu.memory_space<hbm>>) target(%arg14 : memref<32xf32, #tpu.memory_space<vmem>>) target_semaphore(%dma_start3A_70 : memref<!tpu.dma_semaphore, #tpu.memory_space<semaphore_mem>>)
    %dma_start3A_74 = arith.constant 2 : i32
    %dma_start3A_75 = arith.constant 0 : i32
    %dma_start3A_76 = tpu.memref_slice %arg6[%squeeze3A_64, %dma_start3A_75] : memref<100002x31xf32, #tpu.memory_space<hbm>> -> memref<1x31xf32, #tpu.memory_space<hbm>>
    %dma_start3A_77 = tpu.memref_squeeze %dma_start3A_76 : memref<1x31xf32, #tpu.memory_space<hbm>> -> memref<31xf32, #tpu.memory_space<hbm>>
    %dma_start3A_78 = tpu.memref_slice %arg29[%dma_start3A_74] : memref<8x!tpu.dma_semaphore, #tpu.memory_space<semaphore_mem>> -> memref<1x!tpu.dma_semaphore, #tpu.memory_space<semaphore_mem>>
    %dma_start3A_79 = tpu.memref_squeeze %dma_start3A_78 : memref<1x!tpu.dma_semaphore, #tpu.memory_space<semaphore_mem>> -> memref<!tpu.dma_semaphore, #tpu.memory_space<semaphore_mem>>
    %dma_start3A_80 = arith.constant 0 : i32
    %dma_start3A_81 = tpu.memref_slice %arg6[%squeeze3A_64, %dma_start3A_80] : memref<100002x31xf32, #tpu.memory_space<hbm>> -> memref<1x31xf32, #tpu.memory_space<hbm>>
    %dma_start3A_82 = tpu.memref_squeeze %dma_start3A_81 : memref<1x31xf32, #tpu.memory_space<hbm>> -> memref<31xf32, #tpu.memory_space<hbm>>
    tpu.enqueue_dma source(%dma_start3A_82 : memref<31xf32, #tpu.memory_space<hbm>>) target(%arg22 : memref<31xf32, #tpu.memory_space<vmem>>) target_semaphore(%dma_start3A_79 : memref<!tpu.dma_semaphore, #tpu.memory_space<semaphore_mem>>)
    %get3A_83 = arith.constant 3 : index
    %get3A_84 = tpu.vector_load %arg8[%get3A_83] {strides = array<i32>} : memref<528xi32, #tpu.memory_space<vmem>>, vector<16xi32>,
    %get3A_85 = vector.shape_cast %get3A_84 : vector<16xi32> to vector<16xi32>
    %slice3A_86 = vector.extract_strided_slice %get3A_85 {offsets = [0], sizes = [1], strides = [1]} : vector<16xi32> to vector<1xi32>
    %squeeze3A_87 = vector.extract %slice3A_86[0] : i32 from vector<1xi32>
    %get3A_88 = arith.constant 3 : index
    %get3A_89 = tpu.vector_load %arg9[%get3A_88] {strides = array<i32>} : memref<528xi32, #tpu.memory_space<vmem>>, vector<16xi32>,
    %get3A_90 = vector.shape_cast %get3A_89 : vector<16xi32> to vector<16xi32>
    %slice3A_91 = vector.extract_strided_slice %get3A_90 {offsets = [0], sizes = [1], strides = [1]} : vector<16xi32> to vector<1xi32>
    %squeeze3A_92 = vector.extract %slice3A_91[0] : i32 from vector<1xi32>
    %dma_start3A_93 = arith.constant 3 : i32
    %dma_start3A_94 = arith.constant 0 : i32
    %dma_start3A_95 = tpu.memref_slice %arg5[%squeeze3A_87, %dma_start3A_94] : memref<100001x32xf32, #tpu.memory_space<hbm>> -> memref<1x32xf32, #tpu.memory_space<hbm>>
    %dma_start3A_96 = tpu.memref_squeeze %dma_start3A_95 : memref<1x32xf32, #tpu.memory_space<hbm>> -> memref<32xf32, #tpu.memory_space<hbm>>
    %dma_start3A_97 = tpu.memref_slice %arg28[%dma_start3A_93] : memref<8x!tpu.dma_semaphore, #tpu.memory_space<semaphore_mem>> -> memref<1x!tpu.dma_semaphore, #tpu.memory_space<semaphore_mem>>
    %dma_start3A_98 = tpu.memref_squeeze %dma_start3A_97 : memref<1x!tpu.dma_semaphore, #tpu.memory_space<semaphore_mem>> -> memref<!tpu.dma_semaphore, #tpu.memory_space<semaphore_mem>>
    %dma_start3A_99 = arith.constant 0 : i32
    %dma_start3A_100 = tpu.memref_slice %arg5[%squeeze3A_87, %dma_start3A_99] : memref<100001x32xf32, #tpu.memory_space<hbm>> -> memref<1x32xf32, #tpu.memory_space<hbm>>
    %dma_start3A_101 = tpu.memref_squeeze %dma_start3A_100 : memref<1x32xf32, #tpu.memory_space<hbm>> -> memref<32xf32, #tpu.memory_space<hbm>>
    tpu.enqueue_dma source(%dma_start3A_101 : memref<32xf32, #tpu.memory_space<hbm>>) target(%arg15 : memref<32xf32, #tpu.memory_space<vmem>>) target_semaphore(%dma_start3A_98 : memref<!tpu.dma_semaphore, #tpu.memory_space<semaphore_mem>>)
    %dma_start3A_102 = arith.constant 3 : i32
    %dma_start3A_103 = arith.constant 0 : i32
    %dma_start3A_104 = tpu.memref_slice %arg6[%squeeze3A_92, %dma_start3A_103] : memref<100002x31xf32, #tpu.memory_space<hbm>> -> memref<1x31xf32, #tpu.memory_space<hbm>>
    %dma_start3A_105 = tpu.memref_squeeze %dma_start3A_104 : memref<1x31xf32, #tpu.memory_space<hbm>> -> memref<31xf32, #tpu.memory_space<hbm>>
    %dma_start3A_106 = tpu.memref_slice %arg29[%dma_start3A_102] : memref<8x!tpu.dma_semaphore, #tpu.memory_space<semaphore_mem>> -> memref<1x!tpu.dma_semaphore, #tpu.memory_space<semaphore_mem>>
    %dma_start3A_107 = tpu.memref_squeeze %dma_start3A_106 : memref<1x!tpu.dma_semaphore, #tpu.memory_space<semaphore_mem>> -> memref<!tpu.dma_semaphore, #tpu.memory_space<semaphore_mem>>
    %dma_start3A_108 = arith.constant 0 : i32
    %dma_start3A_109 = tpu.memref_slice %arg6[%squeeze3A_92, %dma_start3A_108] : memref<100002x31xf32, #tpu.memory_space<hbm>> -> memref<1x31xf32, #tpu.memory_space<hbm>>
    %dma_start3A_110 = tpu.memref_squeeze %dma_start3A_109 : memref<1x31xf32, #tpu.memory_space<hbm>> -> memref<31xf32, #tpu.memory_space<hbm>>
    tpu.enqueue_dma source(%dma_start3A_110 : memref<31xf32, #tpu.memory_space<hbm>>) target(%arg23 : memref<31xf32, #tpu.memory_space<vmem>>) target_semaphore(%dma_start3A_107 : memref<!tpu.dma_semaphore, #tpu.memory_space<semaphore_mem>>)
    %get3A_111 = arith.constant 4 : index
    %get3A_112 = tpu.vector_load %arg8[%get3A_111] {strides = array<i32>} : memref<528xi32, #tpu.memory_space<vmem>>, vector<16xi32>,
    %get3A_113 = vector.shape_cast %get3A_112 : vector<16xi32> to vector<16xi32>
    %slice3A_114 = vector.extract_strided_slice %get3A_113 {offsets = [0], sizes = [1], strides = [1]} : vector<16xi32> to vector<1xi32>
    %squeeze3A_115 = vector.extract %slice3A_114[0] : i32 from vector<1xi32>
    %get3A_116 = arith.constant 4 : index
    %get3A_117 = tpu.vector_load %arg9[%get3A_116] {strides = array<i32>} : memref<528xi32, #tpu.memory_space<vmem>>, vector<16xi32>,
    %get3A_118 = vector.shape_cast %get3A_117 : vector<16xi32> to vector<16xi32>
    %slice3A_119 = vector.extract_strided_slice %get3A_118 {offsets = [0], sizes = [1], strides = [1]} : vector<16xi32> to vector<1xi32>
    %squeeze3A_120 = vector.extract %slice3A_119[0] : i32 from vector<1xi32>
    %dma_start3A_121 = arith.constant 4 : i32
    %dma_start3A_122 = arith.constant 0 : i32
    %dma_start3A_123 = tpu.memref_slice %arg5[%squeeze3A_115, %dma_start3A_122] : memref<100001x32xf32, #tpu.memory_space<hbm>> -> memref<1x32xf32, #tpu.memory_space<hbm>>
    %dma_start3A_124 = tpu.memref_squeeze %dma_start3A_123 : memref<1x32xf32, #tpu.memory_space<hbm>> -> memref<32xf32, #tpu.memory_space<hbm>>
    %dma_start3A_125 = tpu.memref_slice %arg28[%dma_start3A_121] : memref<8x!tpu.dma_semaphore, #tpu.memory_space<semaphore_mem>> -> memref<1x!tpu.dma_semaphore, #tpu.memory_space<semaphore_mem>>
    %dma_start3A_126 = tpu.memref_squeeze %dma_start3A_125 : memref<1x!tpu.dma_semaphore, #tpu.memory_space<semaphore_mem>> -> memref<!tpu.dma_semaphore, #tpu.memory_space<semaphore_mem>>
    %dma_start3A_127 = arith.constant 0 : i32
    %dma_start3A_128 = tpu.memref_slice %arg5[%squeeze3A_115, %dma_start3A_127] : memref<100001x32xf32, #tpu.memory_space<hbm>> -> memref<1x32xf32, #tpu.memory_space<hbm>>
    %dma_start3A_129 = tpu.memref_squeeze %dma_start3A_128 : memref<1x32xf32, #tpu.memory_space<hbm>> -> memref<32xf32, #tpu.memory_space<hbm>>
    tpu.enqueue_dma source(%dma_start3A_129 : memref<32xf32, #tpu.memory_space<hbm>>) target(%arg16 : memref<32xf32, #tpu.memory_space<vmem>>) target_semaphore(%dma_start3A_126 : memref<!tpu.dma_semaphore, #tpu.memory_space<semaphore_mem>>)
    %dma_start3A_130 = arith.constant 4 : i32
    %dma_start3A_131 = arith.constant 0 : i32
    %dma_start3A_132 = tpu.memref_slice %arg6[%squeeze3A_120, %dma_start3A_131] : memref<100002x31xf32, #tpu.memory_space<hbm>> -> memref<1x31xf32, #tpu.memory_space<hbm>>
    %dma_start3A_133 = tpu.memref_squeeze %dma_start3A_132 : memref<1x31xf32, #tpu.memory_space<hbm>> -> memref<31xf32, #tpu.memory_space<hbm>>
    %dma_start3A_134 = tpu.memref_slice %arg29[%dma_start3A_130] : memref<8x!tpu.dma_semaphore, #tpu.memory_space<semaphore_mem>> -> memref<1x!tpu.dma_semaphore, #tpu.memory_space<semaphore_mem>>
    %dma_start3A_135 = tpu.memref_squeeze %dma_start3A_134 : memref<1x!tpu.dma_semaphore, #tpu.memory_space<semaphore_mem>> -> memref<!tpu.dma_semaphore, #tpu.memory_space<semaphore_mem>>
    %dma_start3A_136 = arith.constant 0 : i32
    %dma_start3A_137 = tpu.memref_slice %arg6[%squeeze3A_120, %dma_start3A_136] : memref<100002x31xf32, #tpu.memory_space<hbm>> -> memref<1x31xf32, #tpu.memory_space<hbm>>
    %dma_start3A_138 = tpu.memref_squeeze %dma_start3A_137 : memref<1x31xf32, #tpu.memory_space<hbm>> -> memref<31xf32, #tpu.memory_space<hbm>>
    tpu.enqueue_dma source(%dma_start3A_138 : memref<31xf32, #tpu.memory_space<hbm>>) target(%arg24 : memref<31xf32, #tpu.memory_space<vmem>>) target_semaphore(%dma_start3A_135 : memref<!tpu.dma_semaphore, #tpu.memory_space<semaphore_mem>>)
    %get3A_139 = arith.constant 5 : index
    %get3A_140 = tpu.vector_load %arg8[%get3A_139] {strides = array<i32>} : memref<528xi32, #tpu.memory_space<vmem>>, vector<16xi32>,
    %get3A_141 = vector.shape_cast %get3A_140 : vector<16xi32> to vector<16xi32>
    %slice3A_142 = vector.extract_strided_slice %get3A_141 {offsets = [0], sizes = [1], strides = [1]} : vector<16xi32> to vector<1xi32>
    %squeeze3A_143 = vector.extract %slice3A_142[0] : i32 from vector<1xi32>
    %get3A_144 = arith.constant 5 : index
    %get3A_145 = tpu.vector_load %arg9[%get3A_144] {strides = array<i32>} : memref<528xi32, #tpu.memory_space<vmem>>, vector<16xi32>,
    %get3A_146 = vector.shape_cast %get3A_145 : vector<16xi32> to vector<16xi32>
    %slice3A_147 = vector.extract_strided_slice %get3A_146 {offsets = [0], sizes = [1], strides = [1]} : vector<16xi32> to vector<1xi32>
    %squeeze3A_148 = vector.extract %slice3A_147[0] : i32 from vector<1xi32>
    %dma_start3A_149 = arith.constant 5 : i32
    %dma_start3A_150 = arith.constant 0 : i32
    %dma_start3A_151 = tpu.memref_slice %arg5[%squeeze3A_143, %dma_start3A_150] : memref<100001x32xf32, #tpu.memory_space<hbm>> -> memref<1x32xf32, #tpu.memory_space<hbm>>
    %dma_start3A_152 = tpu.memref_squeeze %dma_start3A_151 : memref<1x32xf32, #tpu.memory_space<hbm>> -> memref<32xf32, #tpu.memory_space<hbm>>
    %dma_start3A_153 = tpu.memref_slice %arg28[%dma_start3A_149] : memref<8x!tpu.dma_semaphore, #tpu.memory_space<semaphore_mem>> -> memref<1x!tpu.dma_semaphore, #tpu.memory_space<semaphore_mem>>
    %dma_start3A_154 = tpu.memref_squeeze %dma_start3A_153 : memref<1x!tpu.dma_semaphore, #tpu.memory_space<semaphore_mem>> -> memref<!tpu.dma_semaphore, #tpu.memory_space<semaphore_mem>>
    %dma_start3A_155 = arith.constant 0 : i32
    %dma_start3A_156 = tpu.memref_slice %arg5[%squeeze3A_143, %dma_start3A_155] : memref<100001x32xf32, #tpu.memory_space<hbm>> -> memref<1x32xf32, #tpu.memory_space<hbm>>
    %dma_start3A_157 = tpu.memref_squeeze %dma_start3A_156 : memref<1x32xf32, #tpu.memory_space<hbm>> -> memref<32xf32, #tpu.memory_space<hbm>>
    tpu.enqueue_dma source(%dma_start3A_157 : memref<32xf32, #tpu.memory_space<hbm>>) target(%arg17 : memref<32xf32, #tpu.memory_space<vmem>>) target_semaphore(%dma_start3A_154 : memref<!tpu.dma_semaphore, #tpu.memory_space<semaphore_mem>>)
    %dma_start3A_158 = arith.constant 5 : i32
    %dma_start3A_159 = arith.constant 0 : i32
    %dma_start3A_160 = tpu.memref_slice %arg6[%squeeze3A_148, %dma_start3A_159] : memref<100002x31xf32, #tpu.memory_space<hbm>> -> memref<1x31xf32, #tpu.memory_space<hbm>>
    %dma_start3A_161 = tpu.memref_squeeze %dma_start3A_160 : memref<1x31xf32, #tpu.memory_space<hbm>> -> memref<31xf32, #tpu.memory_space<hbm>>
    %dma_start3A_162 = tpu.memref_slice %arg29[%dma_start3A_158] : memref<8x!tpu.dma_semaphore, #tpu.memory_space<semaphore_mem>> -> memref<1x!tpu.dma_semaphore, #tpu.memory_space<semaphore_mem>>
    %dma_start3A_163 = tpu.memref_squeeze %dma_start3A_162 : memref<1x!tpu.dma_semaphore, #tpu.memory_space<semaphore_mem>> -> memref<!tpu.dma_semaphore, #tpu.memory_space<semaphore_mem>>
    %dma_start3A_164 = arith.constant 0 : i32
    %dma_start3A_165 = tpu.memref_slice %arg6[%squeeze3A_148, %dma_start3A_164] : memref<100002x31xf32, #tpu.memory_space<hbm>> -> memref<1x31xf32, #tpu.memory_space<hbm>>
    %dma_start3A_166 = tpu.memref_squeeze %dma_start3A_165 : memref<1x31xf32, #tpu.memory_space<hbm>> -> memref<31xf32, #tpu.memory_space<hbm>>
    tpu.enqueue_dma source(%dma_start3A_166 : memref<31xf32, #tpu.memory_space<hbm>>) target(%arg25 : memref<31xf32, #tpu.memory_space<vmem>>) target_semaphore(%dma_start3A_163 : memref<!tpu.dma_semaphore, #tpu.memory_space<semaphore_mem>>)
    %get3A_167 = arith.constant 6 : index
    %get3A_168 = tpu.vector_load %arg8[%get3A_167] {strides = array<i32>} : memref<528xi32, #tpu.memory_space<vmem>>, vector<16xi32>,
    %get3A_169 = vector.shape_cast %get3A_168 : vector<16xi32> to vector<16xi32>
    %slice3A_170 = vector.extract_strided_slice %get3A_169 {offsets = [0], sizes = [1], strides = [1]} : vector<16xi32> to vector<1xi32>
    %squeeze3A_171 = vector.extract %slice3A_170[0] : i32 from vector<1xi32>
    %get3A_172 = arith.constant 6 : index
    %get3A_173 = tpu.vector_load %arg9[%get3A_172] {strides = array<i32>} : memref<528xi32, #tpu.memory_space<vmem>>, vector<16xi32>,
    %get3A_174 = vector.shape_cast %get3A_173 : vector<16xi32> to vector<16xi32>
    %slice3A_175 = vector.extract_strided_slice %get3A_174 {offsets = [0], sizes = [1], strides = [1]} : vector<16xi32> to vector<1xi32>
    %squeeze3A_176 = vector.extract %slice3A_175[0] : i32 from vector<1xi32>
    %dma_start3A_177 = arith.constant 6 : i32
    %dma_start3A_178 = arith.constant 0 : i32
    %dma_start3A_179 = tpu.memref_slice %arg5[%squeeze3A_171, %dma_start3A_178] : memref<100001x32xf32, #tpu.memory_space<hbm>> -> memref<1x32xf32, #tpu.memory_space<hbm>>
    %dma_start3A_180 = tpu.memref_squeeze %dma_start3A_179 : memref<1x32xf32, #tpu.memory_space<hbm>> -> memref<32xf32, #tpu.memory_space<hbm>>
    %dma_start3A_181 = tpu.memref_slice %arg28[%dma_start3A_177] : memref<8x!tpu.dma_semaphore, #tpu.memory_space<semaphore_mem>> -> memref<1x!tpu.dma_semaphore, #tpu.memory_space<semaphore_mem>>
    %dma_start3A_182 = tpu.memref_squeeze %dma_start3A_181 : memref<1x!tpu.dma_semaphore, #tpu.memory_space<semaphore_mem>> -> memref<!tpu.dma_semaphore, #tpu.memory_space<semaphore_mem>>
    %dma_start3A_183 = arith.constant 0 : i32
    %dma_start3A_184 = tpu.memref_slice %arg5[%squeeze3A_171, %dma_start3A_183] : memref<100001x32xf32, #tpu.memory_space<hbm>> -> memref<1x32xf32, #tpu.memory_space<hbm>>
    %dma_start3A_185 = tpu.memref_squeeze %dma_start3A_184 : memref<1x32xf32, #tpu.memory_space<hbm>> -> memref<32xf32, #tpu.memory_space<hbm>>
    tpu.enqueue_dma source(%dma_start3A_185 : memref<32xf32, #tpu.memory_space<hbm>>) target(%arg18 : memref<32xf32, #tpu.memory_space<vmem>>) target_semaphore(%dma_start3A_182 : memref<!tpu.dma_semaphore, #tpu.memory_space<semaphore_mem>>)
    %dma_start3A_186 = arith.constant 6 : i32
    %dma_start3A_187 = arith.constant 0 : i32
    %dma_start3A_188 = tpu.memref_slice %arg6[%squeeze3A_176, %dma_start3A_187] : memref<100002x31xf32, #tpu.memory_space<hbm>> -> memref<1x31xf32, #tpu.memory_space<hbm>>
    %dma_start3A_189 = tpu.memref_squeeze %dma_start3A_188 : memref<1x31xf32, #tpu.memory_space<hbm>> -> memref<31xf32, #tpu.memory_space<hbm>>
    %dma_start3A_190 = tpu.memref_slice %arg29[%dma_start3A_186] : memref<8x!tpu.dma_semaphore, #tpu.memory_space<semaphore_mem>> -> memref<1x!tpu.dma_semaphore, #tpu.memory_space<semaphore_mem>>
    %dma_start3A_191 = tpu.memref_squeeze %dma_start3A_190 : memref<1x!tpu.dma_semaphore, #tpu.memory_space<semaphore_mem>> -> memref<!tpu.dma_semaphore, #tpu.memory_space<semaphore_mem>>
    %dma_start3A_192 = arith.constant 0 : i32
    %dma_start3A_193 = tpu.memref_slice %arg6[%squeeze3A_176, %dma_start3A_192] : memref<100002x31xf32, #tpu.memory_space<hbm>> -> memref<1x31xf32, #tpu.memory_space<hbm>>
    %dma_start3A_194 = tpu.memref_squeeze %dma_start3A_193 : memref<1x31xf32, #tpu.memory_space<hbm>> -> memref<31xf32, #tpu.memory_space<hbm>>
    tpu.enqueue_dma source(%dma_start3A_194 : memref<31xf32, #tpu.memory_space<hbm>>) target(%arg26 : memref<31xf32, #tpu.memory_space<vmem>>) target_semaphore(%dma_start3A_191 : memref<!tpu.dma_semaphore, #tpu.memory_space<semaphore_mem>>)
    %get3A_195 = arith.constant 7 : index
    %get3A_196 = tpu.vector_load %arg8[%get3A_195] {strides = array<i32>} : memref<528xi32, #tpu.memory_space<vmem>>, vector<16xi32>,
    %get3A_197 = vector.shape_cast %get3A_196 : vector<16xi32> to vector<16xi32>
    %slice3A_198 = vector.extract_strided_slice %get3A_197 {offsets = [0], sizes = [1], strides = [1]} : vector<16xi32> to vector<1xi32>
    %squeeze3A_199 = vector.extract %slice3A_198[0] : i32 from vector<1xi32>
    %get3A_200 = arith.constant 7 : index
    %get3A_201 = tpu.vector_load %arg9[%get3A_200] {strides = array<i32>} : memref<528xi32, #tpu.memory_space<vmem>>, vector<16xi32>,
    %get3A_202 = vector.shape_cast %get3A_201 : vector<16xi32> to vector<16xi32>
    %slice3A_203 = vector.extract_strided_slice %get3A_202 {offsets = [0], sizes = [1], strides = [1]} : vector<16xi32> to vector<1xi32>
    %squeeze3A_204 = vector.extract %slice3A_203[0] : i32 from vector<1xi32>
    %dma_start3A_205 = arith.constant 7 : i32
    %dma_start3A_206 = arith.constant 0 : i32
    %dma_start3A_207 = tpu.memref_slice %arg5[%squeeze3A_199, %dma_start3A_206] : memref<100001x32xf32, #tpu.memory_space<hbm>> -> memref<1x32xf32, #tpu.memory_space<hbm>>
    %dma_start3A_208 = tpu.memref_squeeze %dma_start3A_207 : memref<1x32xf32, #tpu.memory_space<hbm>> -> memref<32xf32, #tpu.memory_space<hbm>>
    %dma_start3A_209 = tpu.memref_slice %arg28[%dma_start3A_205] : memref<8x!tpu.dma_semaphore, #tpu.memory_space<semaphore_mem>> -> memref<1x!tpu.dma_semaphore, #tpu.memory_space<semaphore_mem>>
    %dma_start3A_210 = tpu.memref_squeeze %dma_start3A_209 : memref<1x!tpu.dma_semaphore, #tpu.memory_space<semaphore_mem>> -> memref<!tpu.dma_semaphore, #tpu.memory_space<semaphore_mem>>
    %dma_start3A_211 = arith.constant 0 : i32
    %dma_start3A_212 = tpu.memref_slice %arg5[%squeeze3A_199, %dma_start3A_211] : memref<100001x32xf32, #tpu.memory_space<hbm>> -> memref<1x32xf32, #tpu.memory_space<hbm>>
    %dma_start3A_213 = tpu.memref_squeeze %dma_start3A_212 : memref<1x32xf32, #tpu.memory_space<hbm>> -> memref<32xf32, #tpu.memory_space<hbm>>
    tpu.enqueue_dma source(%dma_start3A_213 : memref<32xf32, #tpu.memory_space<hbm>>) target(%arg19 : memref<32xf32, #tpu.memory_space<vmem>>) target_semaphore(%dma_start3A_210 : memref<!tpu.dma_semaphore, #tpu.memory_space<semaphore_mem>>)
    %dma_start3A_214 = arith.constant 7 : i32
    %dma_start3A_215 = arith.constant 0 : i32
    %dma_start3A_216 = tpu.memref_slice %arg6[%squeeze3A_204, %dma_start3A_215] : memref<100002x31xf32, #tpu.memory_space<hbm>> -> memref<1x31xf32, #tpu.memory_space<hbm>>
    %dma_start3A_217 = tpu.memref_squeeze %dma_start3A_216 : memref<1x31xf32, #tpu.memory_space<hbm>> -> memref<31xf32, #tpu.memory_space<hbm>>
    %dma_start3A_218 = tpu.memref_slice %arg29[%dma_start3A_214] : memref<8x!tpu.dma_semaphore, #tpu.memory_space<semaphore_mem>> -> memref<1x!tpu.dma_semaphore, #tpu.memory_space<semaphore_mem>>
    %dma_start3A_219 = tpu.memref_squeeze %dma_start3A_218 : memref<1x!tpu.dma_semaphore, #tpu.memory_space<semaphore_mem>> -> memref<!tpu.dma_semaphore, #tpu.memory_space<semaphore_mem>>
    %dma_start3A_220 = arith.constant 0 : i32
    %dma_start3A_221 = tpu.memref_slice %arg6[%squeeze3A_204, %dma_start3A_220] : memref<100002x31xf32, #tpu.memory_space<hbm>> -> memref<1x31xf32, #tpu.memory_space<hbm>>
    %dma_start3A_222 = tpu.memref_squeeze %dma_start3A_221 : memref<1x31xf32, #tpu.memory_space<hbm>> -> memref<31xf32, #tpu.memory_space<hbm>>
    tpu.enqueue_dma source(%dma_start3A_222 : memref<31xf32, #tpu.memory_space<hbm>>) target(%arg27 : memref<31xf32, #tpu.memory_space<vmem>>) target_semaphore(%dma_start3A_219 : memref<!tpu.dma_semaphore, #tpu.memory_space<semaphore_mem>>)
    %iota3A = tpu.iota {dimensions = array<i32: 0>} : vector<16xi32>
    %scan3A = arith.constant 0 : i32
    %scan3A_223 = arith.constant 0 : i32
    %scan3A_224 = arith.constant 64 : i32
    %scan3A_225 = arith.addi %scan3A_223, %scan3A_224 : i32
    %scan3A_226 = arith.constant 1 : i32
    %scan3A_227 = scf.for %scan3A_231 = %scan3A_223 to %scan3A_225 step %scan3A_226 iter_args(%scan3A_232 = %scan3A) -> (i32)  : i32 {
      %mul3A_233 = arith.constant 8 : i32
      %mul3A_234 = arith.muli %scan3A_231, %mul3A_233 : i32
      %add3A_235 = arith.constant 0 : i32
      %add3A_236 = arith.addi %mul3A_234, %add3A_235 : i32
      %dma_wait3A = arith.constant 0 : i32
      %dma_wait3A_237 = arith.constant 0 : i32
      %dma_wait3A_238 = arith.constant 0 : i32
      %dma_wait3A_239 = tpu.memref_slice %arg5[%dma_wait3A, %dma_wait3A_238] : memref<100001x32xf32, #tpu.memory_space<hbm>> -> memref<1x32xf32, #tpu.memory_space<hbm>>
      %dma_wait3A_240 = tpu.memref_squeeze %dma_wait3A_239 : memref<1x32xf32, #tpu.memory_space<hbm>> -> memref<32xf32, #tpu.memory_space<hbm>>
      %dma_wait3A_241 = tpu.memref_slice %arg28[%dma_wait3A_237] : memref<8x!tpu.dma_semaphore, #tpu.memory_space<semaphore_mem>> -> memref<1x!tpu.dma_semaphore, #tpu.memory_space<semaphore_mem>>
      %dma_wait3A_242 = tpu.memref_squeeze %dma_wait3A_241 : memref<1x!tpu.dma_semaphore, #tpu.memory_space<semaphore_mem>> -> memref<!tpu.dma_semaphore, #tpu.memory_space<semaphore_mem>>
      %dma_wait3A_243 = arith.constant 0 : i32
      %dma_wait3A_244 = tpu.memref_slice %arg5[%dma_wait3A, %dma_wait3A_243] : memref<100001x32xf32, #tpu.memory_space<hbm>> -> memref<1x32xf32, #tpu.memory_space<hbm>>
      %dma_wait3A_245 = tpu.memref_squeeze %dma_wait3A_244 : memref<1x32xf32, #tpu.memory_space<hbm>> -> memref<32xf32, #tpu.memory_space<hbm>>
      tpu.wait_dma2 semaphore(%dma_wait3A_242 : memref<!tpu.dma_semaphore, #tpu.memory_space<semaphore_mem>>) src(%dma_wait3A_245 : memref<32xf32, #tpu.memory_space<hbm>>) dst(%arg12 : memref<32xf32, #tpu.memory_space<vmem>>)
      %dma_wait3A_246 = arith.constant 0 : i32
      %dma_wait3A_247 = arith.constant 0 : i32
      %dma_wait3A_248 = arith.constant 0 : i32
      %dma_wait3A_249 = tpu.memref_slice %arg6[%dma_wait3A_246, %dma_wait3A_248] : memref<100002x31xf32, #tpu.memory_space<hbm>> -> memref<1x31xf32, #tpu.memory_space<hbm>>
      %dma_wait3A_250 = tpu.memref_squeeze %dma_wait3A_249 : memref<1x31xf32, #tpu.memory_space<hbm>> -> memref<31xf32, #tpu.memory_space<hbm>>
      %dma_wait3A_251 = tpu.memref_slice %arg29[%dma_wait3A_247] : memref<8x!tpu.dma_semaphore, #tpu.memory_space<semaphore_mem>> -> memref<1x!tpu.dma_semaphore, #tpu.memory_space<semaphore_mem>>
      %dma_wait3A_252 = tpu.memref_squeeze %dma_wait3A_251 : memref<1x!tpu.dma_semaphore, #tpu.memory_space<semaphore_mem>> -> memref<!tpu.dma_semaphore, #tpu.memory_space<semaphore_mem>>
      %dma_wait3A_253 = arith.constant 0 : i32
      %dma_wait3A_254 = tpu.memref_slice %arg6[%dma_wait3A_246, %dma_wait3A_253] : memref<100002x31xf32, #tpu.memory_space<hbm>> -> memref<1x31xf32, #tpu.memory_space<hbm>>
      %dma_wait3A_255 = tpu.memref_squeeze %dma_wait3A_254 : memref<1x31xf32, #tpu.memory_space<hbm>> -> memref<31xf32, #tpu.memory_space<hbm>>
      tpu.wait_dma2 semaphore(%dma_wait3A_252 : memref<!tpu.dma_semaphore, #tpu.memory_space<semaphore_mem>>) src(%dma_wait3A_255 : memref<31xf32, #tpu.memory_space<hbm>>) dst(%arg20 : memref<31xf32, #tpu.memory_space<vmem>>)
      %mul3A_256 = arith.constant 64 : i32
      %mul3A_257 = arith.muli %add3A_236, %mul3A_256 : i32
      %get3A_258 = arith.constant 0 : index
      %get3A_259 = tpu.vector_load %arg12[%get3A_258] {strides = array<i32>} : memref<32xf32, #tpu.memory_space<vmem>>, vector<16xf32>,
      %get3A_260 = vector.shape_cast %get3A_259 : vector<16xf32> to vector<16xf32>
      %swap3A = arith.index_cast %mul3A_257 : i32 to index
      %swap3A_261 = tpu.vector_load %arg11[%swap3A] {strides = array<i32>} : memref<32768xf32, #tpu.memory_space<vmem>>, vector<16xf32>,
      %swap3A_262 = vector.shape_cast %swap3A_261 : vector<16xf32> to vector<16xf32>
      %swap3A_263 = vector.shape_cast %get3A_260 : vector<16xf32> to vector<16xf32>
      tpu.vector_store %arg11[%swap3A], %swap3A_263 {strides = array<i32>} : memref<32768xf32, #tpu.memory_space<vmem>>, vector<16xf32>,
      %get3A_264 = arith.constant 16 : index
      %get3A_265 = tpu.vector_load %arg12[%get3A_264] {strides = array<i32>} : memref<32xf32, #tpu.memory_space<vmem>>, vector<16xf32>,
      %get3A_266 = vector.shape_cast %get3A_265 : vector<16xf32> to vector<16xf32>
      %add3A_267 = arith.constant 16 : i32
      %add3A_268 = arith.addi %mul3A_257, %add3A_267 : i32
      %swap3A_269 = arith.index_cast %add3A_268 : i32 to index
      %swap3A_270 = tpu.vector_load %arg11[%swap3A_269] {strides = array<i32>} : memref<32768xf32, #tpu.memory_space<vmem>>, vector<16xf32>,
      %swap3A_271 = vector.shape_cast %swap3A_270 : vector<16xf32> to vector<16xf32>
      %swap3A_272 = vector.shape_cast %get3A_266 : vector<16xf32> to vector<16xf32>
      tpu.vector_store %arg11[%swap3A_269], %swap3A_272 {strides = array<i32>} : memref<32768xf32, #tpu.memory_space<vmem>>, vector<16xf32>,
      %get3A_273 = arith.constant 0 : index
      %get3A_274 = tpu.vector_load %arg20[%get3A_273] {strides = array<i32>} : memref<31xf32, #tpu.memory_space<vmem>>, vector<16xf32>,
      %get3A_275 = vector.shape_cast %get3A_274 : vector<16xf32> to vector<16xf32>
      %add3A_276 = arith.constant 33 : i32
      %add3A_277 = arith.addi %mul3A_257, %add3A_276 : i32
      %swap3A_278 = arith.index_cast %add3A_277 : i32 to index
      %swap3A_279 = tpu.vector_load %arg11[%swap3A_278] {strides = array<i32>} : memref<32768xf32, #tpu.memory_space<vmem>>, vector<16xf32>,
      %swap3A_280 = vector.shape_cast %swap3A_279 : vector<16xf32> to vector<16xf32>
      %swap3A_281 = vector.shape_cast %get3A_275 : vector<16xf32> to vector<16xf32>
      tpu.vector_store %arg11[%swap3A_278], %swap3A_281 {strides = array<i32>} : memref<32768xf32, #tpu.memory_space<vmem>>, vector<16xf32>,
      %get3A_282 = arith.constant 15 : index
      %get3A_283 = tpu.vector_load %arg20[%get3A_282] {strides = array<i32>} : memref<31xf32, #tpu.memory_space<vmem>>, vector<16xf32>,
      %get3A_284 = vector.shape_cast %get3A_283 : vector<16xf32> to vector<16xf32>
      %add3A_285 = arith.constant 48 : i32
      %add3A_286 = arith.addi %mul3A_257, %add3A_285 : i32
      %swap3A_287 = arith.index_cast %add3A_286 : i32 to index
      %swap3A_288 = tpu.vector_load %arg11[%swap3A_287] {strides = array<i32>} : memref<32768xf32, #tpu.memory_space<vmem>>, vector<16xf32>,
      %swap3A_289 = vector.shape_cast %swap3A_288 : vector<16xf32> to vector<16xf32>
      %swap3A_290 = vector.shape_cast %get3A_284 : vector<16xf32> to vector<16xf32>
      tpu.vector_store %arg11[%swap3A_287], %swap3A_290 {strides = array<i32>} : memref<32768xf32, #tpu.memory_space<vmem>>, vector<16xf32>,
      %get3A_291 = arith.index_cast %add3A_236 : i32 to index
      %get3A_292 = tpu.vector_load %arg10[%get3A_291] {strides = array<i32>} : memref<528xf32, #tpu.memory_space<vmem>>, vector<16xf32>,
      %get3A_293 = vector.shape_cast %get3A_292 : vector<16xf32> to vector<16xf32>
      %slice3A_294 = vector.extract_strided_slice %get3A_293 {offsets = [0], sizes = [1], strides = [1]} : vector<16xf32> to vector<1xf32>
      %squeeze3A_295 = vector.extract %slice3A_294[0] : f32 from vector<1xf32>
      %add3A_296 = arith.constant 32 : i32
      %add3A_297 = arith.addi %mul3A_257, %add3A_296 : i32
      %get3A_298 = arith.index_cast %add3A_297 : i32 to index
      %get3A_299 = tpu.vector_load %arg11[%get3A_298] {strides = array<i32>} : memref<32768xf32, #tpu.memory_space<vmem>>, vector<16xf32>,
      %get3A_300 = vector.shape_cast %get3A_299 : vector<16xf32> to vector<16xf32>
      %eq3A = arith.constant 0 : i32
      %eq3A_301 = vector.broadcast %eq3A : i32 to vector<16xi32>
      %eq3A_302 = arith.cmpi eq, %iota3A, %eq3A_301 : vector<16xi32>
      %broadcast_in_dim3A = vector.broadcast %squeeze3A_295 : f32 to vector<16xf32>
      %select_n3A = arith.select %eq3A_302, %broadcast_in_dim3A, %get3A_300 : vector<16xi1>, vector<16xf32>
      %add3A_303 = arith.constant 32 : i32
      %add3A_304 = arith.addi %mul3A_257, %add3A_303 : i32
      %swap3A_305 = arith.index_cast %add3A_304 : i32 to index
      %swap3A_306 = tpu.vector_load %arg11[%swap3A_305] {strides = array<i32>} : memref<32768xf32, #tpu.memory_space<vmem>>, vector<16xf32>,
      %swap3A_307 = vector.shape_cast %swap3A_306 : vector<16xf32> to vector<16xf32>
      %swap3A_308 = vector.shape_cast %select_n3A : vector<16xf32> to vector<16xf32>
      tpu.vector_store %arg11[%swap3A_305], %swap3A_308 {strides = array<i32>} : memref<32768xf32, #tpu.memory_space<vmem>>, vector<16xf32>,
      %add3A_309 = arith.constant 8 : i32
      %add3A_310 = arith.addi %add3A_236, %add3A_309 : i32
      %lt3A = arith.constant 512 : i32
      %lt3A_311 = arith.cmpi slt, %add3A_310, %lt3A : i32
      %convert_element_type3A = arith.extui %lt3A_311 : i1 to i32
      %cond3A = arith.constant 0 : i32
      %cond3A_312 = arith.cmpi ne, %convert_element_type3A, %cond3A : i32
      scf.if %cond3A_312 {
        %add3A_916 = arith.constant 8 : i32
        %add3A_917 = arith.addi %add3A_236, %add3A_916 : i32
        %get3A_918 = arith.index_cast %add3A_917 : i32 to index
        %get3A_919 = tpu.vector_load %arg8[%get3A_918] {strides = array<i32>} : memref<528xi32, #tpu.memory_space<vmem>>, vector<16xi32>,
        %get3A_920 = vector.shape_cast %get3A_919 : vector<16xi32> to vector<16xi32>
        %slice3A_921 = vector.extract_strided_slice %get3A_920 {offsets = [0], sizes = [1], strides = [1]} : vector<16xi32> to vector<1xi32>
        %squeeze3A_922 = vector.extract %slice3A_921[0] : i32 from vector<1xi32>
        %get3A_923 = arith.index_cast %add3A_917 : i32 to index
        %get3A_924 = tpu.vector_load %arg9[%get3A_923] {strides = array<i32>} : memref<528xi32, #tpu.memory_space<vmem>>, vector<16xi32>,
        %get3A_925 = vector.shape_cast %get3A_924 : vector<16xi32> to vector<16xi32>
        %slice3A_926 = vector.extract_strided_slice %get3A_925 {offsets = [0], sizes = [1], strides = [1]} : vector<16xi32> to vector<1xi32>
        %squeeze3A_927 = vector.extract %slice3A_926[0] : i32 from vector<1xi32>
        %dma_start3A_928 = arith.constant 0 : i32
        %dma_start3A_929 = arith.constant 0 : i32
        %dma_start3A_930 = tpu.memref_slice %arg5[%squeeze3A_922, %dma_start3A_929] : memref<100001x32xf32, #tpu.memory_space<hbm>> -> memref<1x32xf32, #tpu.memory_space<hbm>>
        %dma_start3A_931 = tpu.memref_squeeze %dma_start3A_930 : memref<1x32xf32, #tpu.memory_space<hbm>> -> memref<32xf32, #tpu.memory_space<hbm>>
        %dma_start3A_932 = tpu.memref_slice %arg28[%dma_start3A_928] : memref<8x!tpu.dma_semaphore, #tpu.memory_space<semaphore_mem>> -> memref<1x!tpu.dma_semaphore, #tpu.memory_space<semaphore_mem>>
        %dma_start3A_933 = tpu.memref_squeeze %dma_start3A_932 : memref<1x!tpu.dma_semaphore, #tpu.memory_space<semaphore_mem>> -> memref<!tpu.dma_semaphore, #tpu.memory_space<semaphore_mem>>
        %dma_start3A_934 = arith.constant 0 : i32
        %dma_start3A_935 = tpu.memref_slice %arg5[%squeeze3A_922, %dma_start3A_934] : memref<100001x32xf32, #tpu.memory_space<hbm>> -> memref<1x32xf32, #tpu.memory_space<hbm>>
        %dma_start3A_936 = tpu.memref_squeeze %dma_start3A_935 : memref<1x32xf32, #tpu.memory_space<hbm>> -> memref<32xf32, #tpu.memory_space<hbm>>
        tpu.enqueue_dma source(%dma_start3A_936 : memref<32xf32, #tpu.memory_space<hbm>>) target(%arg12 : memref<32xf32, #tpu.memory_space<vmem>>) target_semaphore(%dma_start3A_933 : memref<!tpu.dma_semaphore, #tpu.memory_space<semaphore_mem>>)
        %dma_start3A_937 = arith.constant 0 : i32
        %dma_start3A_938 = arith.constant 0 : i32
        %dma_start3A_939 = tpu.memref_slice %arg6[%squeeze3A_927, %dma_start3A_938] : memref<100002x31xf32, #tpu.memory_space<hbm>> -> memref<1x31xf32, #tpu.memory_space<hbm>>
        %dma_start3A_940 = tpu.memref_squeeze %dma_start3A_939 : memref<1x31xf32, #tpu.memory_space<hbm>> -> memref<31xf32, #tpu.memory_space<hbm>>
        %dma_start3A_941 = tpu.memref_slice %arg29[%dma_start3A_937] : memref<8x!tpu.dma_semaphore, #tpu.memory_space<semaphore_mem>> -> memref<1x!tpu.dma_semaphore, #tpu.memory_space<semaphore_mem>>
        %dma_start3A_942 = tpu.memref_squeeze %dma_start3A_941 : memref<1x!tpu.dma_semaphore, #tpu.memory_space<semaphore_mem>> -> memref<!tpu.dma_semaphore, #tpu.memory_space<semaphore_mem>>
        %dma_start3A_943 = arith.constant 0 : i32
        %dma_start3A_944 = tpu.memref_slice %arg6[%squeeze3A_927, %dma_start3A_943] : memref<100002x31xf32, #tpu.memory_space<hbm>> -> memref<1x31xf32, #tpu.memory_space<hbm>>
        %dma_start3A_945 = tpu.memref_squeeze %dma_start3A_944 : memref<1x31xf32, #tpu.memory_space<hbm>> -> memref<31xf32, #tpu.memory_space<hbm>>
        tpu.enqueue_dma source(%dma_start3A_945 : memref<31xf32, #tpu.memory_space<hbm>>) target(%arg20 : memref<31xf32, #tpu.memory_space<vmem>>) target_semaphore(%dma_start3A_942 : memref<!tpu.dma_semaphore, #tpu.memory_space<semaphore_mem>>)
      } else {
      }
      %add3A_313 = arith.constant 1 : i32
      %add3A_314 = arith.addi %mul3A_234, %add3A_313 : i32
      %dma_wait3A_315 = arith.constant 0 : i32
      %dma_wait3A_316 = arith.constant 1 : i32
      %dma_wait3A_317 = arith.constant 0 : i32
      %dma_wait3A_318 = tpu.memref_slice %arg5[%dma_wait3A_315, %dma_wait3A_317] : memref<100001x32xf32, #tpu.memory_space<hbm>> -> memref<1x32xf32, #tpu.memory_space<hbm>>
      %dma_wait3A_319 = tpu.memref_squeeze %dma_wait3A_318 : memref<1x32xf32, #tpu.memory_space<hbm>> -> memref<32xf32, #tpu.memory_space<hbm>>
      %dma_wait3A_320 = tpu.memref_slice %arg28[%dma_wait3A_316] : memref<8x!tpu.dma_semaphore, #tpu.memory_space<semaphore_mem>> -> memref<1x!tpu.dma_semaphore, #tpu.memory_space<semaphore_mem>>
      %dma_wait3A_321 = tpu.memref_squeeze %dma_wait3A_320 : memref<1x!tpu.dma_semaphore, #tpu.memory_space<semaphore_mem>> -> memref<!tpu.dma_semaphore, #tpu.memory_space<semaphore_mem>>
      %dma_wait3A_322 = arith.constant 0 : i32
      %dma_wait3A_323 = tpu.memref_slice %arg5[%dma_wait3A_315, %dma_wait3A_322] : memref<100001x32xf32, #tpu.memory_space<hbm>> -> memref<1x32xf32, #tpu.memory_space<hbm>>
      %dma_wait3A_324 = tpu.memref_squeeze %dma_wait3A_323 : memref<1x32xf32, #tpu.memory_space<hbm>> -> memref<32xf32, #tpu.memory_space<hbm>>
      tpu.wait_dma2 semaphore(%dma_wait3A_321 : memref<!tpu.dma_semaphore, #tpu.memory_space<semaphore_mem>>) src(%dma_wait3A_324 : memref<32xf32, #tpu.memory_space<hbm>>) dst(%arg13 : memref<32xf32, #tpu.memory_space<vmem>>)
      %dma_wait3A_325 = arith.constant 0 : i32
      %dma_wait3A_326 = arith.constant 1 : i32
      %dma_wait3A_327 = arith.constant 0 : i32
      %dma_wait3A_328 = tpu.memref_slice %arg6[%dma_wait3A_325, %dma_wait3A_327] : memref<100002x31xf32, #tpu.memory_space<hbm>> -> memref<1x31xf32, #tpu.memory_space<hbm>>
      %dma_wait3A_329 = tpu.memref_squeeze %dma_wait3A_328 : memref<1x31xf32, #tpu.memory_space<hbm>> -> memref<31xf32, #tpu.memory_space<hbm>>
      %dma_wait3A_330 = tpu.memref_slice %arg29[%dma_wait3A_326] : memref<8x!tpu.dma_semaphore, #tpu.memory_space<semaphore_mem>> -> memref<1x!tpu.dma_semaphore, #tpu.memory_space<semaphore_mem>>
      %dma_wait3A_331 = tpu.memref_squeeze %dma_wait3A_330 : memref<1x!tpu.dma_semaphore, #tpu.memory_space<semaphore_mem>> -> memref<!tpu.dma_semaphore, #tpu.memory_space<semaphore_mem>>
      %dma_wait3A_332 = arith.constant 0 : i32
      %dma_wait3A_333 = tpu.memref_slice %arg6[%dma_wait3A_325, %dma_wait3A_332] : memref<100002x31xf32, #tpu.memory_space<hbm>> -> memref<1x31xf32, #tpu.memory_space<hbm>>
      %dma_wait3A_334 = tpu.memref_squeeze %dma_wait3A_333 : memref<1x31xf32, #tpu.memory_space<hbm>> -> memref<31xf32, #tpu.memory_space<hbm>>
      tpu.wait_dma2 semaphore(%dma_wait3A_331 : memref<!tpu.dma_semaphore, #tpu.memory_space<semaphore_mem>>) src(%dma_wait3A_334 : memref<31xf32, #tpu.memory_space<hbm>>) dst(%arg21 : memref<31xf32, #tpu.memory_space<vmem>>)
      %mul3A_335 = arith.constant 64 : i32
      %mul3A_336 = arith.muli %add3A_314, %mul3A_335 : i32
      %get3A_337 = arith.constant 0 : index
      %get3A_338 = tpu.vector_load %arg13[%get3A_337] {strides = array<i32>} : memref<32xf32, #tpu.memory_space<vmem>>, vector<16xf32>,
      %get3A_339 = vector.shape_cast %get3A_338 : vector<16xf32> to vector<16xf32>
      %swap3A_340 = arith.index_cast %mul3A_336 : i32 to index
      %swap3A_341 = tpu.vector_load %arg11[%swap3A_340] {strides = array<i32>} : memref<32768xf32, #tpu.memory_space<vmem>>, vector<16xf32>,
      %swap3A_342 = vector.shape_cast %swap3A_341 : vector<16xf32> to vector<16xf32>
      %swap3A_343 = vector.shape_cast %get3A_339 : vector<16xf32> to vector<16xf32>
      tpu.vector_store %arg11[%swap3A_340], %swap3A_343 {strides = array<i32>} : memref<32768xf32, #tpu.memory_space<vmem>>, vector<16xf32>,
      %get3A_344 = arith.constant 16 : index
      %get3A_345 = tpu.vector_load %arg13[%get3A_344] {strides = array<i32>} : memref<32xf32, #tpu.memory_space<vmem>>, vector<16xf32>,
      %get3A_346 = vector.shape_cast %get3A_345 : vector<16xf32> to vector<16xf32>
      %add3A_347 = arith.constant 16 : i32
      %add3A_348 = arith.addi %mul3A_336, %add3A_347 : i32
      %swap3A_349 = arith.index_cast %add3A_348 : i32 to index
      %swap3A_350 = tpu.vector_load %arg11[%swap3A_349] {strides = array<i32>} : memref<32768xf32, #tpu.memory_space<vmem>>, vector<16xf32>,
      %swap3A_351 = vector.shape_cast %swap3A_350 : vector<16xf32> to vector<16xf32>
      %swap3A_352 = vector.shape_cast %get3A_346 : vector<16xf32> to vector<16xf32>
      tpu.vector_store %arg11[%swap3A_349], %swap3A_352 {strides = array<i32>} : memref<32768xf32, #tpu.memory_space<vmem>>, vector<16xf32>,
      %get3A_353 = arith.constant 0 : index
      %get3A_354 = tpu.vector_load %arg21[%get3A_353] {strides = array<i32>} : memref<31xf32, #tpu.memory_space<vmem>>, vector<16xf32>,
      %get3A_355 = vector.shape_cast %get3A_354 : vector<16xf32> to vector<16xf32>
      %add3A_356 = arith.constant 33 : i32
      %add3A_357 = arith.addi %mul3A_336, %add3A_356 : i32
      %swap3A_358 = arith.index_cast %add3A_357 : i32 to index
      %swap3A_359 = tpu.vector_load %arg11[%swap3A_358] {strides = array<i32>} : memref<32768xf32, #tpu.memory_space<vmem>>, vector<16xf32>,
      %swap3A_360 = vector.shape_cast %swap3A_359 : vector<16xf32> to vector<16xf32>
      %swap3A_361 = vector.shape_cast %get3A_355 : vector<16xf32> to vector<16xf32>
      tpu.vector_store %arg11[%swap3A_358], %swap3A_361 {strides = array<i32>} : memref<32768xf32, #tpu.memory_space<vmem>>, vector<16xf32>,
      %get3A_362 = arith.constant 15 : index
      %get3A_363 = tpu.vector_load %arg21[%get3A_362] {strides = array<i32>} : memref<31xf32, #tpu.memory_space<vmem>>, vector<16xf32>,
      %get3A_364 = vector.shape_cast %get3A_363 : vector<16xf32> to vector<16xf32>
      %add3A_365 = arith.constant 48 : i32
      %add3A_366 = arith.addi %mul3A_336, %add3A_365 : i32
      %swap3A_367 = arith.index_cast %add3A_366 : i32 to index
      %swap3A_368 = tpu.vector_load %arg11[%swap3A_367] {strides = array<i32>} : memref<32768xf32, #tpu.memory_space<vmem>>, vector<16xf32>,
      %swap3A_369 = vector.shape_cast %swap3A_368 : vector<16xf32> to vector<16xf32>
      %swap3A_370 = vector.shape_cast %get3A_364 : vector<16xf32> to vector<16xf32>
      tpu.vector_store %arg11[%swap3A_367], %swap3A_370 {strides = array<i32>} : memref<32768xf32, #tpu.memory_space<vmem>>, vector<16xf32>,
      %get3A_371 = arith.index_cast %add3A_314 : i32 to index
      %get3A_372 = tpu.vector_load %arg10[%get3A_371] {strides = array<i32>} : memref<528xf32, #tpu.memory_space<vmem>>, vector<16xf32>,
      %get3A_373 = vector.shape_cast %get3A_372 : vector<16xf32> to vector<16xf32>
      %slice3A_374 = vector.extract_strided_slice %get3A_373 {offsets = [0], sizes = [1], strides = [1]} : vector<16xf32> to vector<1xf32>
      %squeeze3A_375 = vector.extract %slice3A_374[0] : f32 from vector<1xf32>
      %add3A_376 = arith.constant 32 : i32
      %add3A_377 = arith.addi %mul3A_336, %add3A_376 : i32
      %get3A_378 = arith.index_cast %add3A_377 : i32 to index
      %get3A_379 = tpu.vector_load %arg11[%get3A_378] {strides = array<i32>} : memref<32768xf32, #tpu.memory_space<vmem>>, vector<16xf32>,
      %get3A_380 = vector.shape_cast %get3A_379 : vector<16xf32> to vector<16xf32>
      %eq3A_381 = arith.constant 0 : i32
      %eq3A_382 = vector.broadcast %eq3A_381 : i32 to vector<16xi32>
      %eq3A_383 = arith.cmpi eq, %iota3A, %eq3A_382 : vector<16xi32>
      %broadcast_in_dim3A_384 = vector.broadcast %squeeze3A_375 : f32 to vector<16xf32>
      %select_n3A_385 = arith.select %eq3A_383, %broadcast_in_dim3A_384, %get3A_380 : vector<16xi1>, vector<16xf32>
      %add3A_386 = arith.constant 32 : i32
      %add3A_387 = arith.addi %mul3A_336, %add3A_386 : i32
      %swap3A_388 = arith.index_cast %add3A_387 : i32 to index
      %swap3A_389 = tpu.vector_load %arg11[%swap3A_388] {strides = array<i32>} : memref<32768xf32, #tpu.memory_space<vmem>>, vector<16xf32>,
      %swap3A_390 = vector.shape_cast %swap3A_389 : vector<16xf32> to vector<16xf32>
      %swap3A_391 = vector.shape_cast %select_n3A_385 : vector<16xf32> to vector<16xf32>
      tpu.vector_store %arg11[%swap3A_388], %swap3A_391 {strides = array<i32>} : memref<32768xf32, #tpu.memory_space<vmem>>, vector<16xf32>,
      %add3A_392 = arith.constant 8 : i32
      %add3A_393 = arith.addi %add3A_314, %add3A_392 : i32
      %lt3A_394 = arith.constant 512 : i32
      %lt3A_395 = arith.cmpi slt, %add3A_393, %lt3A_394 : i32
      %convert_element_type3A_396 = arith.extui %lt3A_395 : i1 to i32
      %cond3A_397 = arith.constant 0 : i32
      %cond3A_398 = arith.cmpi ne, %convert_element_type3A_396, %cond3A_397 : i32
      scf.if %cond3A_398 {
        %add3A_916 = arith.constant 8 : i32
        %add3A_917 = arith.addi %add3A_314, %add3A_916 : i32
        %get3A_918 = arith.index_cast %add3A_917 : i32 to index
        %get3A_919 = tpu.vector_load %arg8[%get3A_918] {strides = array<i32>} : memref<528xi32, #tpu.memory_space<vmem>>, vector<16xi32>,
        %get3A_920 = vector.shape_cast %get3A_919 : vector<16xi32> to vector<16xi32>
        %slice3A_921 = vector.extract_strided_slice %get3A_920 {offsets = [0], sizes = [1], strides = [1]} : vector<16xi32> to vector<1xi32>
        %squeeze3A_922 = vector.extract %slice3A_921[0] : i32 from vector<1xi32>
        %get3A_923 = arith.index_cast %add3A_917 : i32 to index
        %get3A_924 = tpu.vector_load %arg9[%get3A_923] {strides = array<i32>} : memref<528xi32, #tpu.memory_space<vmem>>, vector<16xi32>,
        %get3A_925 = vector.shape_cast %get3A_924 : vector<16xi32> to vector<16xi32>
        %slice3A_926 = vector.extract_strided_slice %get3A_925 {offsets = [0], sizes = [1], strides = [1]} : vector<16xi32> to vector<1xi32>
        %squeeze3A_927 = vector.extract %slice3A_926[0] : i32 from vector<1xi32>
        %dma_start3A_928 = arith.constant 1 : i32
        %dma_start3A_929 = arith.constant 0 : i32
        %dma_start3A_930 = tpu.memref_slice %arg5[%squeeze3A_922, %dma_start3A_929] : memref<100001x32xf32, #tpu.memory_space<hbm>> -> memref<1x32xf32, #tpu.memory_space<hbm>>
        %dma_start3A_931 = tpu.memref_squeeze %dma_start3A_930 : memref<1x32xf32, #tpu.memory_space<hbm>> -> memref<32xf32, #tpu.memory_space<hbm>>
        %dma_start3A_932 = tpu.memref_slice %arg28[%dma_start3A_928] : memref<8x!tpu.dma_semaphore, #tpu.memory_space<semaphore_mem>> -> memref<1x!tpu.dma_semaphore, #tpu.memory_space<semaphore_mem>>
        %dma_start3A_933 = tpu.memref_squeeze %dma_start3A_932 : memref<1x!tpu.dma_semaphore, #tpu.memory_space<semaphore_mem>> -> memref<!tpu.dma_semaphore, #tpu.memory_space<semaphore_mem>>
        %dma_start3A_934 = arith.constant 0 : i32
        %dma_start3A_935 = tpu.memref_slice %arg5[%squeeze3A_922, %dma_start3A_934] : memref<100001x32xf32, #tpu.memory_space<hbm>> -> memref<1x32xf32, #tpu.memory_space<hbm>>
        %dma_start3A_936 = tpu.memref_squeeze %dma_start3A_935 : memref<1x32xf32, #tpu.memory_space<hbm>> -> memref<32xf32, #tpu.memory_space<hbm>>
        tpu.enqueue_dma source(%dma_start3A_936 : memref<32xf32, #tpu.memory_space<hbm>>) target(%arg13 : memref<32xf32, #tpu.memory_space<vmem>>) target_semaphore(%dma_start3A_933 : memref<!tpu.dma_semaphore, #tpu.memory_space<semaphore_mem>>)
        %dma_start3A_937 = arith.constant 1 : i32
        %dma_start3A_938 = arith.constant 0 : i32
        %dma_start3A_939 = tpu.memref_slice %arg6[%squeeze3A_927, %dma_start3A_938] : memref<100002x31xf32, #tpu.memory_space<hbm>> -> memref<1x31xf32, #tpu.memory_space<hbm>>
        %dma_start3A_940 = tpu.memref_squeeze %dma_start3A_939 : memref<1x31xf32, #tpu.memory_space<hbm>> -> memref<31xf32, #tpu.memory_space<hbm>>
        %dma_start3A_941 = tpu.memref_slice %arg29[%dma_start3A_937] : memref<8x!tpu.dma_semaphore, #tpu.memory_space<semaphore_mem>> -> memref<1x!tpu.dma_semaphore, #tpu.memory_space<semaphore_mem>>
        %dma_start3A_942 = tpu.memref_squeeze %dma_start3A_941 : memref<1x!tpu.dma_semaphore, #tpu.memory_space<semaphore_mem>> -> memref<!tpu.dma_semaphore, #tpu.memory_space<semaphore_mem>>
        %dma_start3A_943 = arith.constant 0 : i32
        %dma_start3A_944 = tpu.memref_slice %arg6[%squeeze3A_927, %dma_start3A_943] : memref<100002x31xf32, #tpu.memory_space<hbm>> -> memref<1x31xf32, #tpu.memory_space<hbm>>
        %dma_start3A_945 = tpu.memref_squeeze %dma_start3A_944 : memref<1x31xf32, #tpu.memory_space<hbm>> -> memref<31xf32, #tpu.memory_space<hbm>>
        tpu.enqueue_dma source(%dma_start3A_945 : memref<31xf32, #tpu.memory_space<hbm>>) target(%arg21 : memref<31xf32, #tpu.memory_space<vmem>>) target_semaphore(%dma_start3A_942 : memref<!tpu.dma_semaphore, #tpu.memory_space<semaphore_mem>>)
      } else {
      }
      %add3A_399 = arith.constant 2 : i32
      %add3A_400 = arith.addi %mul3A_234, %add3A_399 : i32
      %dma_wait3A_401 = arith.constant 0 : i32
      %dma_wait3A_402 = arith.constant 2 : i32
      %dma_wait3A_403 = arith.constant 0 : i32
      %dma_wait3A_404 = tpu.memref_slice %arg5[%dma_wait3A_401, %dma_wait3A_403] : memref<100001x32xf32, #tpu.memory_space<hbm>> -> memref<1x32xf32, #tpu.memory_space<hbm>>
      %dma_wait3A_405 = tpu.memref_squeeze %dma_wait3A_404 : memref<1x32xf32, #tpu.memory_space<hbm>> -> memref<32xf32, #tpu.memory_space<hbm>>
      %dma_wait3A_406 = tpu.memref_slice %arg28[%dma_wait3A_402] : memref<8x!tpu.dma_semaphore, #tpu.memory_space<semaphore_mem>> -> memref<1x!tpu.dma_semaphore, #tpu.memory_space<semaphore_mem>>
      %dma_wait3A_407 = tpu.memref_squeeze %dma_wait3A_406 : memref<1x!tpu.dma_semaphore, #tpu.memory_space<semaphore_mem>> -> memref<!tpu.dma_semaphore, #tpu.memory_space<semaphore_mem>>
      %dma_wait3A_408 = arith.constant 0 : i32
      %dma_wait3A_409 = tpu.memref_slice %arg5[%dma_wait3A_401, %dma_wait3A_408] : memref<100001x32xf32, #tpu.memory_space<hbm>> -> memref<1x32xf32, #tpu.memory_space<hbm>>
      %dma_wait3A_410 = tpu.memref_squeeze %dma_wait3A_409 : memref<1x32xf32, #tpu.memory_space<hbm>> -> memref<32xf32, #tpu.memory_space<hbm>>
      tpu.wait_dma2 semaphore(%dma_wait3A_407 : memref<!tpu.dma_semaphore, #tpu.memory_space<semaphore_mem>>) src(%dma_wait3A_410 : memref<32xf32, #tpu.memory_space<hbm>>) dst(%arg14 : memref<32xf32, #tpu.memory_space<vmem>>)
      %dma_wait3A_411 = arith.constant 0 : i32
      %dma_wait3A_412 = arith.constant 2 : i32
      %dma_wait3A_413 = arith.constant 0 : i32
      %dma_wait3A_414 = tpu.memref_slice %arg6[%dma_wait3A_411, %dma_wait3A_413] : memref<100002x31xf32, #tpu.memory_space<hbm>> -> memref<1x31xf32, #tpu.memory_space<hbm>>
      %dma_wait3A_415 = tpu.memref_squeeze %dma_wait3A_414 : memref<1x31xf32, #tpu.memory_space<hbm>> -> memref<31xf32, #tpu.memory_space<hbm>>
      %dma_wait3A_416 = tpu.memref_slice %arg29[%dma_wait3A_412] : memref<8x!tpu.dma_semaphore, #tpu.memory_space<semaphore_mem>> -> memref<1x!tpu.dma_semaphore, #tpu.memory_space<semaphore_mem>>
      %dma_wait3A_417 = tpu.memref_squeeze %dma_wait3A_416 : memref<1x!tpu.dma_semaphore, #tpu.memory_space<semaphore_mem>> -> memref<!tpu.dma_semaphore, #tpu.memory_space<semaphore_mem>>
      %dma_wait3A_418 = arith.constant 0 : i32
      %dma_wait3A_419 = tpu.memref_slice %arg6[%dma_wait3A_411, %dma_wait3A_418] : memref<100002x31xf32, #tpu.memory_space<hbm>> -> memref<1x31xf32, #tpu.memory_space<hbm>>
      %dma_wait3A_420 = tpu.memref_squeeze %dma_wait3A_419 : memref<1x31xf32, #tpu.memory_space<hbm>> -> memref<31xf32, #tpu.memory_space<hbm>>
      tpu.wait_dma2 semaphore(%dma_wait3A_417 : memref<!tpu.dma_semaphore, #tpu.memory_space<semaphore_mem>>) src(%dma_wait3A_420 : memref<31xf32, #tpu.memory_space<hbm>>) dst(%arg22 : memref<31xf32, #tpu.memory_space<vmem>>)
      %mul3A_421 = arith.constant 64 : i32
      %mul3A_422 = arith.muli %add3A_400, %mul3A_421 : i32
      %get3A_423 = arith.constant 0 : index
      %get3A_424 = tpu.vector_load %arg14[%get3A_423] {strides = array<i32>} : memref<32xf32, #tpu.memory_space<vmem>>, vector<16xf32>,
      %get3A_425 = vector.shape_cast %get3A_424 : vector<16xf32> to vector<16xf32>
      %swap3A_426 = arith.index_cast %mul3A_422 : i32 to index
      %swap3A_427 = tpu.vector_load %arg11[%swap3A_426] {strides = array<i32>} : memref<32768xf32, #tpu.memory_space<vmem>>, vector<16xf32>,
      %swap3A_428 = vector.shape_cast %swap3A_427 : vector<16xf32> to vector<16xf32>
      %swap3A_429 = vector.shape_cast %get3A_425 : vector<16xf32> to vector<16xf32>
      tpu.vector_store %arg11[%swap3A_426], %swap3A_429 {strides = array<i32>} : memref<32768xf32, #tpu.memory_space<vmem>>, vector<16xf32>,
      %get3A_430 = arith.constant 16 : index
      %get3A_431 = tpu.vector_load %arg14[%get3A_430] {strides = array<i32>} : memref<32xf32, #tpu.memory_space<vmem>>, vector<16xf32>,
      %get3A_432 = vector.shape_cast %get3A_431 : vector<16xf32> to vector<16xf32>
      %add3A_433 = arith.constant 16 : i32
      %add3A_434 = arith.addi %mul3A_422, %add3A_433 : i32
      %swap3A_435 = arith.index_cast %add3A_434 : i32 to index
      %swap3A_436 = tpu.vector_load %arg11[%swap3A_435] {strides = array<i32>} : memref<32768xf32, #tpu.memory_space<vmem>>, vector<16xf32>,
      %swap3A_437 = vector.shape_cast %swap3A_436 : vector<16xf32> to vector<16xf32>
      %swap3A_438 = vector.shape_cast %get3A_432 : vector<16xf32> to vector<16xf32>
      tpu.vector_store %arg11[%swap3A_435], %swap3A_438 {strides = array<i32>} : memref<32768xf32, #tpu.memory_space<vmem>>, vector<16xf32>,
      %get3A_439 = arith.constant 0 : index
      %get3A_440 = tpu.vector_load %arg22[%get3A_439] {strides = array<i32>} : memref<31xf32, #tpu.memory_space<vmem>>, vector<16xf32>,
      %get3A_441 = vector.shape_cast %get3A_440 : vector<16xf32> to vector<16xf32>
      %add3A_442 = arith.constant 33 : i32
      %add3A_443 = arith.addi %mul3A_422, %add3A_442 : i32
      %swap3A_444 = arith.index_cast %add3A_443 : i32 to index
      %swap3A_445 = tpu.vector_load %arg11[%swap3A_444] {strides = array<i32>} : memref<32768xf32, #tpu.memory_space<vmem>>, vector<16xf32>,
      %swap3A_446 = vector.shape_cast %swap3A_445 : vector<16xf32> to vector<16xf32>
      %swap3A_447 = vector.shape_cast %get3A_441 : vector<16xf32> to vector<16xf32>
      tpu.vector_store %arg11[%swap3A_444], %swap3A_447 {strides = array<i32>} : memref<32768xf32, #tpu.memory_space<vmem>>, vector<16xf32>,
      %get3A_448 = arith.constant 15 : index
      %get3A_449 = tpu.vector_load %arg22[%get3A_448] {strides = array<i32>} : memref<31xf32, #tpu.memory_space<vmem>>, vector<16xf32>,
      %get3A_450 = vector.shape_cast %get3A_449 : vector<16xf32> to vector<16xf32>
      %add3A_451 = arith.constant 48 : i32
      %add3A_452 = arith.addi %mul3A_422, %add3A_451 : i32
      %swap3A_453 = arith.index_cast %add3A_452 : i32 to index
      %swap3A_454 = tpu.vector_load %arg11[%swap3A_453] {strides = array<i32>} : memref<32768xf32, #tpu.memory_space<vmem>>, vector<16xf32>,
      %swap3A_455 = vector.shape_cast %swap3A_454 : vector<16xf32> to vector<16xf32>
      %swap3A_456 = vector.shape_cast %get3A_450 : vector<16xf32> to vector<16xf32>
      tpu.vector_store %arg11[%swap3A_453], %swap3A_456 {strides = array<i32>} : memref<32768xf32, #tpu.memory_space<vmem>>, vector<16xf32>,
      %get3A_457 = arith.index_cast %add3A_400 : i32 to index
      %get3A_458 = tpu.vector_load %arg10[%get3A_457] {strides = array<i32>} : memref<528xf32, #tpu.memory_space<vmem>>, vector<16xf32>,
      %get3A_459 = vector.shape_cast %get3A_458 : vector<16xf32> to vector<16xf32>
      %slice3A_460 = vector.extract_strided_slice %get3A_459 {offsets = [0], sizes = [1], strides = [1]} : vector<16xf32> to vector<1xf32>
      %squeeze3A_461 = vector.extract %slice3A_460[0] : f32 from vector<1xf32>
      %add3A_462 = arith.constant 32 : i32
      %add3A_463 = arith.addi %mul3A_422, %add3A_462 : i32
      %get3A_464 = arith.index_cast %add3A_463 : i32 to index
      %get3A_465 = tpu.vector_load %arg11[%get3A_464] {strides = array<i32>} : memref<32768xf32, #tpu.memory_space<vmem>>, vector<16xf32>,
      %get3A_466 = vector.shape_cast %get3A_465 : vector<16xf32> to vector<16xf32>
      %eq3A_467 = arith.constant 0 : i32
      %eq3A_468 = vector.broadcast %eq3A_467 : i32 to vector<16xi32>
      %eq3A_469 = arith.cmpi eq, %iota3A, %eq3A_468 : vector<16xi32>
      %broadcast_in_dim3A_470 = vector.broadcast %squeeze3A_461 : f32 to vector<16xf32>
      %select_n3A_471 = arith.select %eq3A_469, %broadcast_in_dim3A_470, %get3A_466 : vector<16xi1>, vector<16xf32>
      %add3A_472 = arith.constant 32 : i32
      %add3A_473 = arith.addi %mul3A_422, %add3A_472 : i32
      %swap3A_474 = arith.index_cast %add3A_473 : i32 to index
      %swap3A_475 = tpu.vector_load %arg11[%swap3A_474] {strides = array<i32>} : memref<32768xf32, #tpu.memory_space<vmem>>, vector<16xf32>,
      %swap3A_476 = vector.shape_cast %swap3A_475 : vector<16xf32> to vector<16xf32>
      %swap3A_477 = vector.shape_cast %select_n3A_471 : vector<16xf32> to vector<16xf32>
      tpu.vector_store %arg11[%swap3A_474], %swap3A_477 {strides = array<i32>} : memref<32768xf32, #tpu.memory_space<vmem>>, vector<16xf32>,
      %add3A_478 = arith.constant 8 : i32
      %add3A_479 = arith.addi %add3A_400, %add3A_478 : i32
      %lt3A_480 = arith.constant 512 : i32
      %lt3A_481 = arith.cmpi slt, %add3A_479, %lt3A_480 : i32
      %convert_element_type3A_482 = arith.extui %lt3A_481 : i1 to i32
      %cond3A_483 = arith.constant 0 : i32
      %cond3A_484 = arith.cmpi ne, %convert_element_type3A_482, %cond3A_483 : i32
      scf.if %cond3A_484 {
        %add3A_916 = arith.constant 8 : i32
        %add3A_917 = arith.addi %add3A_400, %add3A_916 : i32
        %get3A_918 = arith.index_cast %add3A_917 : i32 to index
        %get3A_919 = tpu.vector_load %arg8[%get3A_918] {strides = array<i32>} : memref<528xi32, #tpu.memory_space<vmem>>, vector<16xi32>,
        %get3A_920 = vector.shape_cast %get3A_919 : vector<16xi32> to vector<16xi32>
        %slice3A_921 = vector.extract_strided_slice %get3A_920 {offsets = [0], sizes = [1], strides = [1]} : vector<16xi32> to vector<1xi32>
        %squeeze3A_922 = vector.extract %slice3A_921[0] : i32 from vector<1xi32>
        %get3A_923 = arith.index_cast %add3A_917 : i32 to index
        %get3A_924 = tpu.vector_load %arg9[%get3A_923] {strides = array<i32>} : memref<528xi32, #tpu.memory_space<vmem>>, vector<16xi32>,
        %get3A_925 = vector.shape_cast %get3A_924 : vector<16xi32> to vector<16xi32>
        %slice3A_926 = vector.extract_strided_slice %get3A_925 {offsets = [0], sizes = [1], strides = [1]} : vector<16xi32> to vector<1xi32>
        %squeeze3A_927 = vector.extract %slice3A_926[0] : i32 from vector<1xi32>
        %dma_start3A_928 = arith.constant 2 : i32
        %dma_start3A_929 = arith.constant 0 : i32
        %dma_start3A_930 = tpu.memref_slice %arg5[%squeeze3A_922, %dma_start3A_929] : memref<100001x32xf32, #tpu.memory_space<hbm>> -> memref<1x32xf32, #tpu.memory_space<hbm>>
        %dma_start3A_931 = tpu.memref_squeeze %dma_start3A_930 : memref<1x32xf32, #tpu.memory_space<hbm>> -> memref<32xf32, #tpu.memory_space<hbm>>
        %dma_start3A_932 = tpu.memref_slice %arg28[%dma_start3A_928] : memref<8x!tpu.dma_semaphore, #tpu.memory_space<semaphore_mem>> -> memref<1x!tpu.dma_semaphore, #tpu.memory_space<semaphore_mem>>
        %dma_start3A_933 = tpu.memref_squeeze %dma_start3A_932 : memref<1x!tpu.dma_semaphore, #tpu.memory_space<semaphore_mem>> -> memref<!tpu.dma_semaphore, #tpu.memory_space<semaphore_mem>>
        %dma_start3A_934 = arith.constant 0 : i32
        %dma_start3A_935 = tpu.memref_slice %arg5[%squeeze3A_922, %dma_start3A_934] : memref<100001x32xf32, #tpu.memory_space<hbm>> -> memref<1x32xf32, #tpu.memory_space<hbm>>
        %dma_start3A_936 = tpu.memref_squeeze %dma_start3A_935 : memref<1x32xf32, #tpu.memory_space<hbm>> -> memref<32xf32, #tpu.memory_space<hbm>>
        tpu.enqueue_dma source(%dma_start3A_936 : memref<32xf32, #tpu.memory_space<hbm>>) target(%arg14 : memref<32xf32, #tpu.memory_space<vmem>>) target_semaphore(%dma_start3A_933 : memref<!tpu.dma_semaphore, #tpu.memory_space<semaphore_mem>>)
        %dma_start3A_937 = arith.constant 2 : i32
        %dma_start3A_938 = arith.constant 0 : i32
        %dma_start3A_939 = tpu.memref_slice %arg6[%squeeze3A_927, %dma_start3A_938] : memref<100002x31xf32, #tpu.memory_space<hbm>> -> memref<1x31xf32, #tpu.memory_space<hbm>>
        %dma_start3A_940 = tpu.memref_squeeze %dma_start3A_939 : memref<1x31xf32, #tpu.memory_space<hbm>> -> memref<31xf32, #tpu.memory_space<hbm>>
        %dma_start3A_941 = tpu.memref_slice %arg29[%dma_start3A_937] : memref<8x!tpu.dma_semaphore, #tpu.memory_space<semaphore_mem>> -> memref<1x!tpu.dma_semaphore, #tpu.memory_space<semaphore_mem>>
        %dma_start3A_942 = tpu.memref_squeeze %dma_start3A_941 : memref<1x!tpu.dma_semaphore, #tpu.memory_space<semaphore_mem>> -> memref<!tpu.dma_semaphore, #tpu.memory_space<semaphore_mem>>
        %dma_start3A_943 = arith.constant 0 : i32
        %dma_start3A_944 = tpu.memref_slice %arg6[%squeeze3A_927, %dma_start3A_943] : memref<100002x31xf32, #tpu.memory_space<hbm>> -> memref<1x31xf32, #tpu.memory_space<hbm>>
        %dma_start3A_945 = tpu.memref_squeeze %dma_start3A_944 : memref<1x31xf32, #tpu.memory_space<hbm>> -> memref<31xf32, #tpu.memory_space<hbm>>
        tpu.enqueue_dma source(%dma_start3A_945 : memref<31xf32, #tpu.memory_space<hbm>>) target(%arg22 : memref<31xf32, #tpu.memory_space<vmem>>) target_semaphore(%dma_start3A_942 : memref<!tpu.dma_semaphore, #tpu.memory_space<semaphore_mem>>)
      } else {
      }
      %add3A_485 = arith.constant 3 : i32
      %add3A_486 = arith.addi %mul3A_234, %add3A_485 : i32
      %dma_wait3A_487 = arith.constant 0 : i32
      %dma_wait3A_488 = arith.constant 3 : i32
      %dma_wait3A_489 = arith.constant 0 : i32
      %dma_wait3A_490 = tpu.memref_slice %arg5[%dma_wait3A_487, %dma_wait3A_489] : memref<100001x32xf32, #tpu.memory_space<hbm>> -> memref<1x32xf32, #tpu.memory_space<hbm>>
      %dma_wait3A_491 = tpu.memref_squeeze %dma_wait3A_490 : memref<1x32xf32, #tpu.memory_space<hbm>> -> memref<32xf32, #tpu.memory_space<hbm>>
      %dma_wait3A_492 = tpu.memref_slice %arg28[%dma_wait3A_488] : memref<8x!tpu.dma_semaphore, #tpu.memory_space<semaphore_mem>> -> memref<1x!tpu.dma_semaphore, #tpu.memory_space<semaphore_mem>>
      %dma_wait3A_493 = tpu.memref_squeeze %dma_wait3A_492 : memref<1x!tpu.dma_semaphore, #tpu.memory_space<semaphore_mem>> -> memref<!tpu.dma_semaphore, #tpu.memory_space<semaphore_mem>>
      %dma_wait3A_494 = arith.constant 0 : i32
      %dma_wait3A_495 = tpu.memref_slice %arg5[%dma_wait3A_487, %dma_wait3A_494] : memref<100001x32xf32, #tpu.memory_space<hbm>> -> memref<1x32xf32, #tpu.memory_space<hbm>>
      %dma_wait3A_496 = tpu.memref_squeeze %dma_wait3A_495 : memref<1x32xf32, #tpu.memory_space<hbm>> -> memref<32xf32, #tpu.memory_space<hbm>>
      tpu.wait_dma2 semaphore(%dma_wait3A_493 : memref<!tpu.dma_semaphore, #tpu.memory_space<semaphore_mem>>) src(%dma_wait3A_496 : memref<32xf32, #tpu.memory_space<hbm>>) dst(%arg15 : memref<32xf32, #tpu.memory_space<vmem>>)
      %dma_wait3A_497 = arith.constant 0 : i32
      %dma_wait3A_498 = arith.constant 3 : i32
      %dma_wait3A_499 = arith.constant 0 : i32
      %dma_wait3A_500 = tpu.memref_slice %arg6[%dma_wait3A_497, %dma_wait3A_499] : memref<100002x31xf32, #tpu.memory_space<hbm>> -> memref<1x31xf32, #tpu.memory_space<hbm>>
      %dma_wait3A_501 = tpu.memref_squeeze %dma_wait3A_500 : memref<1x31xf32, #tpu.memory_space<hbm>> -> memref<31xf32, #tpu.memory_space<hbm>>
      %dma_wait3A_502 = tpu.memref_slice %arg29[%dma_wait3A_498] : memref<8x!tpu.dma_semaphore, #tpu.memory_space<semaphore_mem>> -> memref<1x!tpu.dma_semaphore, #tpu.memory_space<semaphore_mem>>
      %dma_wait3A_503 = tpu.memref_squeeze %dma_wait3A_502 : memref<1x!tpu.dma_semaphore, #tpu.memory_space<semaphore_mem>> -> memref<!tpu.dma_semaphore, #tpu.memory_space<semaphore_mem>>
      %dma_wait3A_504 = arith.constant 0 : i32
      %dma_wait3A_505 = tpu.memref_slice %arg6[%dma_wait3A_497, %dma_wait3A_504] : memref<100002x31xf32, #tpu.memory_space<hbm>> -> memref<1x31xf32, #tpu.memory_space<hbm>>
      %dma_wait3A_506 = tpu.memref_squeeze %dma_wait3A_505 : memref<1x31xf32, #tpu.memory_space<hbm>> -> memref<31xf32, #tpu.memory_space<hbm>>
      tpu.wait_dma2 semaphore(%dma_wait3A_503 : memref<!tpu.dma_semaphore, #tpu.memory_space<semaphore_mem>>) src(%dma_wait3A_506 : memref<31xf32, #tpu.memory_space<hbm>>) dst(%arg23 : memref<31xf32, #tpu.memory_space<vmem>>)
      %mul3A_507 = arith.constant 64 : i32
      %mul3A_508 = arith.muli %add3A_486, %mul3A_507 : i32
      %get3A_509 = arith.constant 0 : index
      %get3A_510 = tpu.vector_load %arg15[%get3A_509] {strides = array<i32>} : memref<32xf32, #tpu.memory_space<vmem>>, vector<16xf32>,
      %get3A_511 = vector.shape_cast %get3A_510 : vector<16xf32> to vector<16xf32>
      %swap3A_512 = arith.index_cast %mul3A_508 : i32 to index
      %swap3A_513 = tpu.vector_load %arg11[%swap3A_512] {strides = array<i32>} : memref<32768xf32, #tpu.memory_space<vmem>>, vector<16xf32>,
      %swap3A_514 = vector.shape_cast %swap3A_513 : vector<16xf32> to vector<16xf32>
      %swap3A_515 = vector.shape_cast %get3A_511 : vector<16xf32> to vector<16xf32>
      tpu.vector_store %arg11[%swap3A_512], %swap3A_515 {strides = array<i32>} : memref<32768xf32, #tpu.memory_space<vmem>>, vector<16xf32>,
      %get3A_516 = arith.constant 16 : index
      %get3A_517 = tpu.vector_load %arg15[%get3A_516] {strides = array<i32>} : memref<32xf32, #tpu.memory_space<vmem>>, vector<16xf32>,
      %get3A_518 = vector.shape_cast %get3A_517 : vector<16xf32> to vector<16xf32>
      %add3A_519 = arith.constant 16 : i32
      %add3A_520 = arith.addi %mul3A_508, %add3A_519 : i32
      %swap3A_521 = arith.index_cast %add3A_520 : i32 to index
      %swap3A_522 = tpu.vector_load %arg11[%swap3A_521] {strides = array<i32>} : memref<32768xf32, #tpu.memory_space<vmem>>, vector<16xf32>,
      %swap3A_523 = vector.shape_cast %swap3A_522 : vector<16xf32> to vector<16xf32>
      %swap3A_524 = vector.shape_cast %get3A_518 : vector<16xf32> to vector<16xf32>
      tpu.vector_store %arg11[%swap3A_521], %swap3A_524 {strides = array<i32>} : memref<32768xf32, #tpu.memory_space<vmem>>, vector<16xf32>,
      %get3A_525 = arith.constant 0 : index
      %get3A_526 = tpu.vector_load %arg23[%get3A_525] {strides = array<i32>} : memref<31xf32, #tpu.memory_space<vmem>>, vector<16xf32>,
      %get3A_527 = vector.shape_cast %get3A_526 : vector<16xf32> to vector<16xf32>
      %add3A_528 = arith.constant 33 : i32
      %add3A_529 = arith.addi %mul3A_508, %add3A_528 : i32
      %swap3A_530 = arith.index_cast %add3A_529 : i32 to index
      %swap3A_531 = tpu.vector_load %arg11[%swap3A_530] {strides = array<i32>} : memref<32768xf32, #tpu.memory_space<vmem>>, vector<16xf32>,
      %swap3A_532 = vector.shape_cast %swap3A_531 : vector<16xf32> to vector<16xf32>
      %swap3A_533 = vector.shape_cast %get3A_527 : vector<16xf32> to vector<16xf32>
      tpu.vector_store %arg11[%swap3A_530], %swap3A_533 {strides = array<i32>} : memref<32768xf32, #tpu.memory_space<vmem>>, vector<16xf32>,
      %get3A_534 = arith.constant 15 : index
      %get3A_535 = tpu.vector_load %arg23[%get3A_534] {strides = array<i32>} : memref<31xf32, #tpu.memory_space<vmem>>, vector<16xf32>,
      %get3A_536 = vector.shape_cast %get3A_535 : vector<16xf32> to vector<16xf32>
      %add3A_537 = arith.constant 48 : i32
      %add3A_538 = arith.addi %mul3A_508, %add3A_537 : i32
      %swap3A_539 = arith.index_cast %add3A_538 : i32 to index
      %swap3A_540 = tpu.vector_load %arg11[%swap3A_539] {strides = array<i32>} : memref<32768xf32, #tpu.memory_space<vmem>>, vector<16xf32>,
      %swap3A_541 = vector.shape_cast %swap3A_540 : vector<16xf32> to vector<16xf32>
      %swap3A_542 = vector.shape_cast %get3A_536 : vector<16xf32> to vector<16xf32>
      tpu.vector_store %arg11[%swap3A_539], %swap3A_542 {strides = array<i32>} : memref<32768xf32, #tpu.memory_space<vmem>>, vector<16xf32>,
      %get3A_543 = arith.index_cast %add3A_486 : i32 to index
      %get3A_544 = tpu.vector_load %arg10[%get3A_543] {strides = array<i32>} : memref<528xf32, #tpu.memory_space<vmem>>, vector<16xf32>,
      %get3A_545 = vector.shape_cast %get3A_544 : vector<16xf32> to vector<16xf32>
      %slice3A_546 = vector.extract_strided_slice %get3A_545 {offsets = [0], sizes = [1], strides = [1]} : vector<16xf32> to vector<1xf32>
      %squeeze3A_547 = vector.extract %slice3A_546[0] : f32 from vector<1xf32>
      %add3A_548 = arith.constant 32 : i32
      %add3A_549 = arith.addi %mul3A_508, %add3A_548 : i32
      %get3A_550 = arith.index_cast %add3A_549 : i32 to index
      %get3A_551 = tpu.vector_load %arg11[%get3A_550] {strides = array<i32>} : memref<32768xf32, #tpu.memory_space<vmem>>, vector<16xf32>,
      %get3A_552 = vector.shape_cast %get3A_551 : vector<16xf32> to vector<16xf32>
      %eq3A_553 = arith.constant 0 : i32
      %eq3A_554 = vector.broadcast %eq3A_553 : i32 to vector<16xi32>
      %eq3A_555 = arith.cmpi eq, %iota3A, %eq3A_554 : vector<16xi32>
      %broadcast_in_dim3A_556 = vector.broadcast %squeeze3A_547 : f32 to vector<16xf32>
      %select_n3A_557 = arith.select %eq3A_555, %broadcast_in_dim3A_556, %get3A_552 : vector<16xi1>, vector<16xf32>
      %add3A_558 = arith.constant 32 : i32
      %add3A_559 = arith.addi %mul3A_508, %add3A_558 : i32
      %swap3A_560 = arith.index_cast %add3A_559 : i32 to index
      %swap3A_561 = tpu.vector_load %arg11[%swap3A_560] {strides = array<i32>} : memref<32768xf32, #tpu.memory_space<vmem>>, vector<16xf32>,
      %swap3A_562 = vector.shape_cast %swap3A_561 : vector<16xf32> to vector<16xf32>
      %swap3A_563 = vector.shape_cast %select_n3A_557 : vector<16xf32> to vector<16xf32>
      tpu.vector_store %arg11[%swap3A_560], %swap3A_563 {strides = array<i32>} : memref<32768xf32, #tpu.memory_space<vmem>>, vector<16xf32>,
      %add3A_564 = arith.constant 8 : i32
      %add3A_565 = arith.addi %add3A_486, %add3A_564 : i32
      %lt3A_566 = arith.constant 512 : i32
      %lt3A_567 = arith.cmpi slt, %add3A_565, %lt3A_566 : i32
      %convert_element_type3A_568 = arith.extui %lt3A_567 : i1 to i32
      %cond3A_569 = arith.constant 0 : i32
      %cond3A_570 = arith.cmpi ne, %convert_element_type3A_568, %cond3A_569 : i32
      scf.if %cond3A_570 {
        %add3A_916 = arith.constant 8 : i32
        %add3A_917 = arith.addi %add3A_486, %add3A_916 : i32
        %get3A_918 = arith.index_cast %add3A_917 : i32 to index
        %get3A_919 = tpu.vector_load %arg8[%get3A_918] {strides = array<i32>} : memref<528xi32, #tpu.memory_space<vmem>>, vector<16xi32>,
        %get3A_920 = vector.shape_cast %get3A_919 : vector<16xi32> to vector<16xi32>
        %slice3A_921 = vector.extract_strided_slice %get3A_920 {offsets = [0], sizes = [1], strides = [1]} : vector<16xi32> to vector<1xi32>
        %squeeze3A_922 = vector.extract %slice3A_921[0] : i32 from vector<1xi32>
        %get3A_923 = arith.index_cast %add3A_917 : i32 to index
        %get3A_924 = tpu.vector_load %arg9[%get3A_923] {strides = array<i32>} : memref<528xi32, #tpu.memory_space<vmem>>, vector<16xi32>,
        %get3A_925 = vector.shape_cast %get3A_924 : vector<16xi32> to vector<16xi32>
        %slice3A_926 = vector.extract_strided_slice %get3A_925 {offsets = [0], sizes = [1], strides = [1]} : vector<16xi32> to vector<1xi32>
        %squeeze3A_927 = vector.extract %slice3A_926[0] : i32 from vector<1xi32>
        %dma_start3A_928 = arith.constant 3 : i32
        %dma_start3A_929 = arith.constant 0 : i32
        %dma_start3A_930 = tpu.memref_slice %arg5[%squeeze3A_922, %dma_start3A_929] : memref<100001x32xf32, #tpu.memory_space<hbm>> -> memref<1x32xf32, #tpu.memory_space<hbm>>
        %dma_start3A_931 = tpu.memref_squeeze %dma_start3A_930 : memref<1x32xf32, #tpu.memory_space<hbm>> -> memref<32xf32, #tpu.memory_space<hbm>>
        %dma_start3A_932 = tpu.memref_slice %arg28[%dma_start3A_928] : memref<8x!tpu.dma_semaphore, #tpu.memory_space<semaphore_mem>> -> memref<1x!tpu.dma_semaphore, #tpu.memory_space<semaphore_mem>>
        %dma_start3A_933 = tpu.memref_squeeze %dma_start3A_932 : memref<1x!tpu.dma_semaphore, #tpu.memory_space<semaphore_mem>> -> memref<!tpu.dma_semaphore, #tpu.memory_space<semaphore_mem>>
        %dma_start3A_934 = arith.constant 0 : i32
        %dma_start3A_935 = tpu.memref_slice %arg5[%squeeze3A_922, %dma_start3A_934] : memref<100001x32xf32, #tpu.memory_space<hbm>> -> memref<1x32xf32, #tpu.memory_space<hbm>>
        %dma_start3A_936 = tpu.memref_squeeze %dma_start3A_935 : memref<1x32xf32, #tpu.memory_space<hbm>> -> memref<32xf32, #tpu.memory_space<hbm>>
        tpu.enqueue_dma source(%dma_start3A_936 : memref<32xf32, #tpu.memory_space<hbm>>) target(%arg15 : memref<32xf32, #tpu.memory_space<vmem>>) target_semaphore(%dma_start3A_933 : memref<!tpu.dma_semaphore, #tpu.memory_space<semaphore_mem>>)
        %dma_start3A_937 = arith.constant 3 : i32
        %dma_start3A_938 = arith.constant 0 : i32
        %dma_start3A_939 = tpu.memref_slice %arg6[%squeeze3A_927, %dma_start3A_938] : memref<100002x31xf32, #tpu.memory_space<hbm>> -> memref<1x31xf32, #tpu.memory_space<hbm>>
        %dma_start3A_940 = tpu.memref_squeeze %dma_start3A_939 : memref<1x31xf32, #tpu.memory_space<hbm>> -> memref<31xf32, #tpu.memory_space<hbm>>
        %dma_start3A_941 = tpu.memref_slice %arg29[%dma_start3A_937] : memref<8x!tpu.dma_semaphore, #tpu.memory_space<semaphore_mem>> -> memref<1x!tpu.dma_semaphore, #tpu.memory_space<semaphore_mem>>
        %dma_start3A_942 = tpu.memref_squeeze %dma_start3A_941 : memref<1x!tpu.dma_semaphore, #tpu.memory_space<semaphore_mem>> -> memref<!tpu.dma_semaphore, #tpu.memory_space<semaphore_mem>>
        %dma_start3A_943 = arith.constant 0 : i32
        %dma_start3A_944 = tpu.memref_slice %arg6[%squeeze3A_927, %dma_start3A_943] : memref<100002x31xf32, #tpu.memory_space<hbm>> -> memref<1x31xf32, #tpu.memory_space<hbm>>
        %dma_start3A_945 = tpu.memref_squeeze %dma_start3A_944 : memref<1x31xf32, #tpu.memory_space<hbm>> -> memref<31xf32, #tpu.memory_space<hbm>>
        tpu.enqueue_dma source(%dma_start3A_945 : memref<31xf32, #tpu.memory_space<hbm>>) target(%arg23 : memref<31xf32, #tpu.memory_space<vmem>>) target_semaphore(%dma_start3A_942 : memref<!tpu.dma_semaphore, #tpu.memory_space<semaphore_mem>>)
      } else {
      }
      %add3A_571 = arith.constant 4 : i32
      %add3A_572 = arith.addi %mul3A_234, %add3A_571 : i32
      %dma_wait3A_573 = arith.constant 0 : i32
      %dma_wait3A_574 = arith.constant 4 : i32
      %dma_wait3A_575 = arith.constant 0 : i32
      %dma_wait3A_576 = tpu.memref_slice %arg5[%dma_wait3A_573, %dma_wait3A_575] : memref<100001x32xf32, #tpu.memory_space<hbm>> -> memref<1x32xf32, #tpu.memory_space<hbm>>
      %dma_wait3A_577 = tpu.memref_squeeze %dma_wait3A_576 : memref<1x32xf32, #tpu.memory_space<hbm>> -> memref<32xf32, #tpu.memory_space<hbm>>
      %dma_wait3A_578 = tpu.memref_slice %arg28[%dma_wait3A_574] : memref<8x!tpu.dma_semaphore, #tpu.memory_space<semaphore_mem>> -> memref<1x!tpu.dma_semaphore, #tpu.memory_space<semaphore_mem>>
      %dma_wait3A_579 = tpu.memref_squeeze %dma_wait3A_578 : memref<1x!tpu.dma_semaphore, #tpu.memory_space<semaphore_mem>> -> memref<!tpu.dma_semaphore, #tpu.memory_space<semaphore_mem>>
      %dma_wait3A_580 = arith.constant 0 : i32
      %dma_wait3A_581 = tpu.memref_slice %arg5[%dma_wait3A_573, %dma_wait3A_580] : memref<100001x32xf32, #tpu.memory_space<hbm>> -> memref<1x32xf32, #tpu.memory_space<hbm>>
      %dma_wait3A_582 = tpu.memref_squeeze %dma_wait3A_581 : memref<1x32xf32, #tpu.memory_space<hbm>> -> memref<32xf32, #tpu.memory_space<hbm>>
      tpu.wait_dma2 semaphore(%dma_wait3A_579 : memref<!tpu.dma_semaphore, #tpu.memory_space<semaphore_mem>>) src(%dma_wait3A_582 : memref<32xf32, #tpu.memory_space<hbm>>) dst(%arg16 : memref<32xf32, #tpu.memory_space<vmem>>)
      %dma_wait3A_583 = arith.constant 0 : i32
      %dma_wait3A_584 = arith.constant 4 : i32
      %dma_wait3A_585 = arith.constant 0 : i32
      %dma_wait3A_586 = tpu.memref_slice %arg6[%dma_wait3A_583, %dma_wait3A_585] : memref<100002x31xf32, #tpu.memory_space<hbm>> -> memref<1x31xf32, #tpu.memory_space<hbm>>
      %dma_wait3A_587 = tpu.memref_squeeze %dma_wait3A_586 : memref<1x31xf32, #tpu.memory_space<hbm>> -> memref<31xf32, #tpu.memory_space<hbm>>
      %dma_wait3A_588 = tpu.memref_slice %arg29[%dma_wait3A_584] : memref<8x!tpu.dma_semaphore, #tpu.memory_space<semaphore_mem>> -> memref<1x!tpu.dma_semaphore, #tpu.memory_space<semaphore_mem>>
      %dma_wait3A_589 = tpu.memref_squeeze %dma_wait3A_588 : memref<1x!tpu.dma_semaphore, #tpu.memory_space<semaphore_mem>> -> memref<!tpu.dma_semaphore, #tpu.memory_space<semaphore_mem>>
      %dma_wait3A_590 = arith.constant 0 : i32
      %dma_wait3A_591 = tpu.memref_slice %arg6[%dma_wait3A_583, %dma_wait3A_590] : memref<100002x31xf32, #tpu.memory_space<hbm>> -> memref<1x31xf32, #tpu.memory_space<hbm>>
      %dma_wait3A_592 = tpu.memref_squeeze %dma_wait3A_591 : memref<1x31xf32, #tpu.memory_space<hbm>> -> memref<31xf32, #tpu.memory_space<hbm>>
      tpu.wait_dma2 semaphore(%dma_wait3A_589 : memref<!tpu.dma_semaphore, #tpu.memory_space<semaphore_mem>>) src(%dma_wait3A_592 : memref<31xf32, #tpu.memory_space<hbm>>) dst(%arg24 : memref<31xf32, #tpu.memory_space<vmem>>)
      %mul3A_593 = arith.constant 64 : i32
      %mul3A_594 = arith.muli %add3A_572, %mul3A_593 : i32
      %get3A_595 = arith.constant 0 : index
      %get3A_596 = tpu.vector_load %arg16[%get3A_595] {strides = array<i32>} : memref<32xf32, #tpu.memory_space<vmem>>, vector<16xf32>,
      %get3A_597 = vector.shape_cast %get3A_596 : vector<16xf32> to vector<16xf32>
      %swap3A_598 = arith.index_cast %mul3A_594 : i32 to index
      %swap3A_599 = tpu.vector_load %arg11[%swap3A_598] {strides = array<i32>} : memref<32768xf32, #tpu.memory_space<vmem>>, vector<16xf32>,
      %swap3A_600 = vector.shape_cast %swap3A_599 : vector<16xf32> to vector<16xf32>
      %swap3A_601 = vector.shape_cast %get3A_597 : vector<16xf32> to vector<16xf32>
      tpu.vector_store %arg11[%swap3A_598], %swap3A_601 {strides = array<i32>} : memref<32768xf32, #tpu.memory_space<vmem>>, vector<16xf32>,
      %get3A_602 = arith.constant 16 : index
      %get3A_603 = tpu.vector_load %arg16[%get3A_602] {strides = array<i32>} : memref<32xf32, #tpu.memory_space<vmem>>, vector<16xf32>,
      %get3A_604 = vector.shape_cast %get3A_603 : vector<16xf32> to vector<16xf32>
      %add3A_605 = arith.constant 16 : i32
      %add3A_606 = arith.addi %mul3A_594, %add3A_605 : i32
      %swap3A_607 = arith.index_cast %add3A_606 : i32 to index
      %swap3A_608 = tpu.vector_load %arg11[%swap3A_607] {strides = array<i32>} : memref<32768xf32, #tpu.memory_space<vmem>>, vector<16xf32>,
      %swap3A_609 = vector.shape_cast %swap3A_608 : vector<16xf32> to vector<16xf32>
      %swap3A_610 = vector.shape_cast %get3A_604 : vector<16xf32> to vector<16xf32>
      tpu.vector_store %arg11[%swap3A_607], %swap3A_610 {strides = array<i32>} : memref<32768xf32, #tpu.memory_space<vmem>>, vector<16xf32>,
      %get3A_611 = arith.constant 0 : index
      %get3A_612 = tpu.vector_load %arg24[%get3A_611] {strides = array<i32>} : memref<31xf32, #tpu.memory_space<vmem>>, vector<16xf32>,
      %get3A_613 = vector.shape_cast %get3A_612 : vector<16xf32> to vector<16xf32>
      %add3A_614 = arith.constant 33 : i32
      %add3A_615 = arith.addi %mul3A_594, %add3A_614 : i32
      %swap3A_616 = arith.index_cast %add3A_615 : i32 to index
      %swap3A_617 = tpu.vector_load %arg11[%swap3A_616] {strides = array<i32>} : memref<32768xf32, #tpu.memory_space<vmem>>, vector<16xf32>,
      %swap3A_618 = vector.shape_cast %swap3A_617 : vector<16xf32> to vector<16xf32>
      %swap3A_619 = vector.shape_cast %get3A_613 : vector<16xf32> to vector<16xf32>
      tpu.vector_store %arg11[%swap3A_616], %swap3A_619 {strides = array<i32>} : memref<32768xf32, #tpu.memory_space<vmem>>, vector<16xf32>,
      %get3A_620 = arith.constant 15 : index
      %get3A_621 = tpu.vector_load %arg24[%get3A_620] {strides = array<i32>} : memref<31xf32, #tpu.memory_space<vmem>>, vector<16xf32>,
      %get3A_622 = vector.shape_cast %get3A_621 : vector<16xf32> to vector<16xf32>
      %add3A_623 = arith.constant 48 : i32
      %add3A_624 = arith.addi %mul3A_594, %add3A_623 : i32
      %swap3A_625 = arith.index_cast %add3A_624 : i32 to index
      %swap3A_626 = tpu.vector_load %arg11[%swap3A_625] {strides = array<i32>} : memref<32768xf32, #tpu.memory_space<vmem>>, vector<16xf32>,
      %swap3A_627 = vector.shape_cast %swap3A_626 : vector<16xf32> to vector<16xf32>
      %swap3A_628 = vector.shape_cast %get3A_622 : vector<16xf32> to vector<16xf32>
      tpu.vector_store %arg11[%swap3A_625], %swap3A_628 {strides = array<i32>} : memref<32768xf32, #tpu.memory_space<vmem>>, vector<16xf32>,
      %get3A_629 = arith.index_cast %add3A_572 : i32 to index
      %get3A_630 = tpu.vector_load %arg10[%get3A_629] {strides = array<i32>} : memref<528xf32, #tpu.memory_space<vmem>>, vector<16xf32>,
      %get3A_631 = vector.shape_cast %get3A_630 : vector<16xf32> to vector<16xf32>
      %slice3A_632 = vector.extract_strided_slice %get3A_631 {offsets = [0], sizes = [1], strides = [1]} : vector<16xf32> to vector<1xf32>
      %squeeze3A_633 = vector.extract %slice3A_632[0] : f32 from vector<1xf32>
      %add3A_634 = arith.constant 32 : i32
      %add3A_635 = arith.addi %mul3A_594, %add3A_634 : i32
      %get3A_636 = arith.index_cast %add3A_635 : i32 to index
      %get3A_637 = tpu.vector_load %arg11[%get3A_636] {strides = array<i32>} : memref<32768xf32, #tpu.memory_space<vmem>>, vector<16xf32>,
      %get3A_638 = vector.shape_cast %get3A_637 : vector<16xf32> to vector<16xf32>
      %eq3A_639 = arith.constant 0 : i32
      %eq3A_640 = vector.broadcast %eq3A_639 : i32 to vector<16xi32>
      %eq3A_641 = arith.cmpi eq, %iota3A, %eq3A_640 : vector<16xi32>
      %broadcast_in_dim3A_642 = vector.broadcast %squeeze3A_633 : f32 to vector<16xf32>
      %select_n3A_643 = arith.select %eq3A_641, %broadcast_in_dim3A_642, %get3A_638 : vector<16xi1>, vector<16xf32>
      %add3A_644 = arith.constant 32 : i32
      %add3A_645 = arith.addi %mul3A_594, %add3A_644 : i32
      %swap3A_646 = arith.index_cast %add3A_645 : i32 to index
      %swap3A_647 = tpu.vector_load %arg11[%swap3A_646] {strides = array<i32>} : memref<32768xf32, #tpu.memory_space<vmem>>, vector<16xf32>,
      %swap3A_648 = vector.shape_cast %swap3A_647 : vector<16xf32> to vector<16xf32>
      %swap3A_649 = vector.shape_cast %select_n3A_643 : vector<16xf32> to vector<16xf32>
      tpu.vector_store %arg11[%swap3A_646], %swap3A_649 {strides = array<i32>} : memref<32768xf32, #tpu.memory_space<vmem>>, vector<16xf32>,
      %add3A_650 = arith.constant 8 : i32
      %add3A_651 = arith.addi %add3A_572, %add3A_650 : i32
      %lt3A_652 = arith.constant 512 : i32
      %lt3A_653 = arith.cmpi slt, %add3A_651, %lt3A_652 : i32
      %convert_element_type3A_654 = arith.extui %lt3A_653 : i1 to i32
      %cond3A_655 = arith.constant 0 : i32
      %cond3A_656 = arith.cmpi ne, %convert_element_type3A_654, %cond3A_655 : i32
      scf.if %cond3A_656 {
        %add3A_916 = arith.constant 8 : i32
        %add3A_917 = arith.addi %add3A_572, %add3A_916 : i32
        %get3A_918 = arith.index_cast %add3A_917 : i32 to index
        %get3A_919 = tpu.vector_load %arg8[%get3A_918] {strides = array<i32>} : memref<528xi32, #tpu.memory_space<vmem>>, vector<16xi32>,
        %get3A_920 = vector.shape_cast %get3A_919 : vector<16xi32> to vector<16xi32>
        %slice3A_921 = vector.extract_strided_slice %get3A_920 {offsets = [0], sizes = [1], strides = [1]} : vector<16xi32> to vector<1xi32>
        %squeeze3A_922 = vector.extract %slice3A_921[0] : i32 from vector<1xi32>
        %get3A_923 = arith.index_cast %add3A_917 : i32 to index
        %get3A_924 = tpu.vector_load %arg9[%get3A_923] {strides = array<i32>} : memref<528xi32, #tpu.memory_space<vmem>>, vector<16xi32>,
        %get3A_925 = vector.shape_cast %get3A_924 : vector<16xi32> to vector<16xi32>
        %slice3A_926 = vector.extract_strided_slice %get3A_925 {offsets = [0], sizes = [1], strides = [1]} : vector<16xi32> to vector<1xi32>
        %squeeze3A_927 = vector.extract %slice3A_926[0] : i32 from vector<1xi32>
        %dma_start3A_928 = arith.constant 4 : i32
        %dma_start3A_929 = arith.constant 0 : i32
        %dma_start3A_930 = tpu.memref_slice %arg5[%squeeze3A_922, %dma_start3A_929] : memref<100001x32xf32, #tpu.memory_space<hbm>> -> memref<1x32xf32, #tpu.memory_space<hbm>>
        %dma_start3A_931 = tpu.memref_squeeze %dma_start3A_930 : memref<1x32xf32, #tpu.memory_space<hbm>> -> memref<32xf32, #tpu.memory_space<hbm>>
        %dma_start3A_932 = tpu.memref_slice %arg28[%dma_start3A_928] : memref<8x!tpu.dma_semaphore, #tpu.memory_space<semaphore_mem>> -> memref<1x!tpu.dma_semaphore, #tpu.memory_space<semaphore_mem>>
        %dma_start3A_933 = tpu.memref_squeeze %dma_start3A_932 : memref<1x!tpu.dma_semaphore, #tpu.memory_space<semaphore_mem>> -> memref<!tpu.dma_semaphore, #tpu.memory_space<semaphore_mem>>
        %dma_start3A_934 = arith.constant 0 : i32
        %dma_start3A_935 = tpu.memref_slice %arg5[%squeeze3A_922, %dma_start3A_934] : memref<100001x32xf32, #tpu.memory_space<hbm>> -> memref<1x32xf32, #tpu.memory_space<hbm>>
        %dma_start3A_936 = tpu.memref_squeeze %dma_start3A_935 : memref<1x32xf32, #tpu.memory_space<hbm>> -> memref<32xf32, #tpu.memory_space<hbm>>
        tpu.enqueue_dma source(%dma_start3A_936 : memref<32xf32, #tpu.memory_space<hbm>>) target(%arg16 : memref<32xf32, #tpu.memory_space<vmem>>) target_semaphore(%dma_start3A_933 : memref<!tpu.dma_semaphore, #tpu.memory_space<semaphore_mem>>)
        %dma_start3A_937 = arith.constant 4 : i32
        %dma_start3A_938 = arith.constant 0 : i32
        %dma_start3A_939 = tpu.memref_slice %arg6[%squeeze3A_927, %dma_start3A_938] : memref<100002x31xf32, #tpu.memory_space<hbm>> -> memref<1x31xf32, #tpu.memory_space<hbm>>
        %dma_start3A_940 = tpu.memref_squeeze %dma_start3A_939 : memref<1x31xf32, #tpu.memory_space<hbm>> -> memref<31xf32, #tpu.memory_space<hbm>>
        %dma_start3A_941 = tpu.memref_slice %arg29[%dma_start3A_937] : memref<8x!tpu.dma_semaphore, #tpu.memory_space<semaphore_mem>> -> memref<1x!tpu.dma_semaphore, #tpu.memory_space<semaphore_mem>>
        %dma_start3A_942 = tpu.memref_squeeze %dma_start3A_941 : memref<1x!tpu.dma_semaphore, #tpu.memory_space<semaphore_mem>> -> memref<!tpu.dma_semaphore, #tpu.memory_space<semaphore_mem>>
        %dma_start3A_943 = arith.constant 0 : i32
        %dma_start3A_944 = tpu.memref_slice %arg6[%squeeze3A_927, %dma_start3A_943] : memref<100002x31xf32, #tpu.memory_space<hbm>> -> memref<1x31xf32, #tpu.memory_space<hbm>>
        %dma_start3A_945 = tpu.memref_squeeze %dma_start3A_944 : memref<1x31xf32, #tpu.memory_space<hbm>> -> memref<31xf32, #tpu.memory_space<hbm>>
        tpu.enqueue_dma source(%dma_start3A_945 : memref<31xf32, #tpu.memory_space<hbm>>) target(%arg24 : memref<31xf32, #tpu.memory_space<vmem>>) target_semaphore(%dma_start3A_942 : memref<!tpu.dma_semaphore, #tpu.memory_space<semaphore_mem>>)
      } else {
      }
      %add3A_657 = arith.constant 5 : i32
      %add3A_658 = arith.addi %mul3A_234, %add3A_657 : i32
      %dma_wait3A_659 = arith.constant 0 : i32
      %dma_wait3A_660 = arith.constant 5 : i32
      %dma_wait3A_661 = arith.constant 0 : i32
      %dma_wait3A_662 = tpu.memref_slice %arg5[%dma_wait3A_659, %dma_wait3A_661] : memref<100001x32xf32, #tpu.memory_space<hbm>> -> memref<1x32xf32, #tpu.memory_space<hbm>>
      %dma_wait3A_663 = tpu.memref_squeeze %dma_wait3A_662 : memref<1x32xf32, #tpu.memory_space<hbm>> -> memref<32xf32, #tpu.memory_space<hbm>>
      %dma_wait3A_664 = tpu.memref_slice %arg28[%dma_wait3A_660] : memref<8x!tpu.dma_semaphore, #tpu.memory_space<semaphore_mem>> -> memref<1x!tpu.dma_semaphore, #tpu.memory_space<semaphore_mem>>
      %dma_wait3A_665 = tpu.memref_squeeze %dma_wait3A_664 : memref<1x!tpu.dma_semaphore, #tpu.memory_space<semaphore_mem>> -> memref<!tpu.dma_semaphore, #tpu.memory_space<semaphore_mem>>
      %dma_wait3A_666 = arith.constant 0 : i32
      %dma_wait3A_667 = tpu.memref_slice %arg5[%dma_wait3A_659, %dma_wait3A_666] : memref<100001x32xf32, #tpu.memory_space<hbm>> -> memref<1x32xf32, #tpu.memory_space<hbm>>
      %dma_wait3A_668 = tpu.memref_squeeze %dma_wait3A_667 : memref<1x32xf32, #tpu.memory_space<hbm>> -> memref<32xf32, #tpu.memory_space<hbm>>
      tpu.wait_dma2 semaphore(%dma_wait3A_665 : memref<!tpu.dma_semaphore, #tpu.memory_space<semaphore_mem>>) src(%dma_wait3A_668 : memref<32xf32, #tpu.memory_space<hbm>>) dst(%arg17 : memref<32xf32, #tpu.memory_space<vmem>>)
      %dma_wait3A_669 = arith.constant 0 : i32
      %dma_wait3A_670 = arith.constant 5 : i32
      %dma_wait3A_671 = arith.constant 0 : i32
      %dma_wait3A_672 = tpu.memref_slice %arg6[%dma_wait3A_669, %dma_wait3A_671] : memref<100002x31xf32, #tpu.memory_space<hbm>> -> memref<1x31xf32, #tpu.memory_space<hbm>>
      %dma_wait3A_673 = tpu.memref_squeeze %dma_wait3A_672 : memref<1x31xf32, #tpu.memory_space<hbm>> -> memref<31xf32, #tpu.memory_space<hbm>>
      %dma_wait3A_674 = tpu.memref_slice %arg29[%dma_wait3A_670] : memref<8x!tpu.dma_semaphore, #tpu.memory_space<semaphore_mem>> -> memref<1x!tpu.dma_semaphore, #tpu.memory_space<semaphore_mem>>
      %dma_wait3A_675 = tpu.memref_squeeze %dma_wait3A_674 : memref<1x!tpu.dma_semaphore, #tpu.memory_space<semaphore_mem>> -> memref<!tpu.dma_semaphore, #tpu.memory_space<semaphore_mem>>
      %dma_wait3A_676 = arith.constant 0 : i32
      %dma_wait3A_677 = tpu.memref_slice %arg6[%dma_wait3A_669, %dma_wait3A_676] : memref<100002x31xf32, #tpu.memory_space<hbm>> -> memref<1x31xf32, #tpu.memory_space<hbm>>
      %dma_wait3A_678 = tpu.memref_squeeze %dma_wait3A_677 : memref<1x31xf32, #tpu.memory_space<hbm>> -> memref<31xf32, #tpu.memory_space<hbm>>
      tpu.wait_dma2 semaphore(%dma_wait3A_675 : memref<!tpu.dma_semaphore, #tpu.memory_space<semaphore_mem>>) src(%dma_wait3A_678 : memref<31xf32, #tpu.memory_space<hbm>>) dst(%arg25 : memref<31xf32, #tpu.memory_space<vmem>>)
      %mul3A_679 = arith.constant 64 : i32
      %mul3A_680 = arith.muli %add3A_658, %mul3A_679 : i32
      %get3A_681 = arith.constant 0 : index
      %get3A_682 = tpu.vector_load %arg17[%get3A_681] {strides = array<i32>} : memref<32xf32, #tpu.memory_space<vmem>>, vector<16xf32>,
      %get3A_683 = vector.shape_cast %get3A_682 : vector<16xf32> to vector<16xf32>
      %swap3A_684 = arith.index_cast %mul3A_680 : i32 to index
      %swap3A_685 = tpu.vector_load %arg11[%swap3A_684] {strides = array<i32>} : memref<32768xf32, #tpu.memory_space<vmem>>, vector<16xf32>,
      %swap3A_686 = vector.shape_cast %swap3A_685 : vector<16xf32> to vector<16xf32>
      %swap3A_687 = vector.shape_cast %get3A_683 : vector<16xf32> to vector<16xf32>
      tpu.vector_store %arg11[%swap3A_684], %swap3A_687 {strides = array<i32>} : memref<32768xf32, #tpu.memory_space<vmem>>, vector<16xf32>,
      %get3A_688 = arith.constant 16 : index
      %get3A_689 = tpu.vector_load %arg17[%get3A_688] {strides = array<i32>} : memref<32xf32, #tpu.memory_space<vmem>>, vector<16xf32>,
      %get3A_690 = vector.shape_cast %get3A_689 : vector<16xf32> to vector<16xf32>
      %add3A_691 = arith.constant 16 : i32
      %add3A_692 = arith.addi %mul3A_680, %add3A_691 : i32
      %swap3A_693 = arith.index_cast %add3A_692 : i32 to index
      %swap3A_694 = tpu.vector_load %arg11[%swap3A_693] {strides = array<i32>} : memref<32768xf32, #tpu.memory_space<vmem>>, vector<16xf32>,
      %swap3A_695 = vector.shape_cast %swap3A_694 : vector<16xf32> to vector<16xf32>
      %swap3A_696 = vector.shape_cast %get3A_690 : vector<16xf32> to vector<16xf32>
      tpu.vector_store %arg11[%swap3A_693], %swap3A_696 {strides = array<i32>} : memref<32768xf32, #tpu.memory_space<vmem>>, vector<16xf32>,
      %get3A_697 = arith.constant 0 : index
      %get3A_698 = tpu.vector_load %arg25[%get3A_697] {strides = array<i32>} : memref<31xf32, #tpu.memory_space<vmem>>, vector<16xf32>,
      %get3A_699 = vector.shape_cast %get3A_698 : vector<16xf32> to vector<16xf32>
      %add3A_700 = arith.constant 33 : i32
      %add3A_701 = arith.addi %mul3A_680, %add3A_700 : i32
      %swap3A_702 = arith.index_cast %add3A_701 : i32 to index
      %swap3A_703 = tpu.vector_load %arg11[%swap3A_702] {strides = array<i32>} : memref<32768xf32, #tpu.memory_space<vmem>>, vector<16xf32>,
      %swap3A_704 = vector.shape_cast %swap3A_703 : vector<16xf32> to vector<16xf32>
      %swap3A_705 = vector.shape_cast %get3A_699 : vector<16xf32> to vector<16xf32>
      tpu.vector_store %arg11[%swap3A_702], %swap3A_705 {strides = array<i32>} : memref<32768xf32, #tpu.memory_space<vmem>>, vector<16xf32>,
      %get3A_706 = arith.constant 15 : index
      %get3A_707 = tpu.vector_load %arg25[%get3A_706] {strides = array<i32>} : memref<31xf32, #tpu.memory_space<vmem>>, vector<16xf32>,
      %get3A_708 = vector.shape_cast %get3A_707 : vector<16xf32> to vector<16xf32>
      %add3A_709 = arith.constant 48 : i32
      %add3A_710 = arith.addi %mul3A_680, %add3A_709 : i32
      %swap3A_711 = arith.index_cast %add3A_710 : i32 to index
      %swap3A_712 = tpu.vector_load %arg11[%swap3A_711] {strides = array<i32>} : memref<32768xf32, #tpu.memory_space<vmem>>, vector<16xf32>,
      %swap3A_713 = vector.shape_cast %swap3A_712 : vector<16xf32> to vector<16xf32>
      %swap3A_714 = vector.shape_cast %get3A_708 : vector<16xf32> to vector<16xf32>
      tpu.vector_store %arg11[%swap3A_711], %swap3A_714 {strides = array<i32>} : memref<32768xf32, #tpu.memory_space<vmem>>, vector<16xf32>,
      %get3A_715 = arith.index_cast %add3A_658 : i32 to index
      %get3A_716 = tpu.vector_load %arg10[%get3A_715] {strides = array<i32>} : memref<528xf32, #tpu.memory_space<vmem>>, vector<16xf32>,
      %get3A_717 = vector.shape_cast %get3A_716 : vector<16xf32> to vector<16xf32>
      %slice3A_718 = vector.extract_strided_slice %get3A_717 {offsets = [0], sizes = [1], strides = [1]} : vector<16xf32> to vector<1xf32>
      %squeeze3A_719 = vector.extract %slice3A_718[0] : f32 from vector<1xf32>
      %add3A_720 = arith.constant 32 : i32
      %add3A_721 = arith.addi %mul3A_680, %add3A_720 : i32
      %get3A_722 = arith.index_cast %add3A_721 : i32 to index
      %get3A_723 = tpu.vector_load %arg11[%get3A_722] {strides = array<i32>} : memref<32768xf32, #tpu.memory_space<vmem>>, vector<16xf32>,
      %get3A_724 = vector.shape_cast %get3A_723 : vector<16xf32> to vector<16xf32>
      %eq3A_725 = arith.constant 0 : i32
      %eq3A_726 = vector.broadcast %eq3A_725 : i32 to vector<16xi32>
      %eq3A_727 = arith.cmpi eq, %iota3A, %eq3A_726 : vector<16xi32>
      %broadcast_in_dim3A_728 = vector.broadcast %squeeze3A_719 : f32 to vector<16xf32>
      %select_n3A_729 = arith.select %eq3A_727, %broadcast_in_dim3A_728, %get3A_724 : vector<16xi1>, vector<16xf32>
      %add3A_730 = arith.constant 32 : i32
      %add3A_731 = arith.addi %mul3A_680, %add3A_730 : i32
      %swap3A_732 = arith.index_cast %add3A_731 : i32 to index
      %swap3A_733 = tpu.vector_load %arg11[%swap3A_732] {strides = array<i32>} : memref<32768xf32, #tpu.memory_space<vmem>>, vector<16xf32>,
      %swap3A_734 = vector.shape_cast %swap3A_733 : vector<16xf32> to vector<16xf32>
      %swap3A_735 = vector.shape_cast %select_n3A_729 : vector<16xf32> to vector<16xf32>
      tpu.vector_store %arg11[%swap3A_732], %swap3A_735 {strides = array<i32>} : memref<32768xf32, #tpu.memory_space<vmem>>, vector<16xf32>,
      %add3A_736 = arith.constant 8 : i32
      %add3A_737 = arith.addi %add3A_658, %add3A_736 : i32
      %lt3A_738 = arith.constant 512 : i32
      %lt3A_739 = arith.cmpi slt, %add3A_737, %lt3A_738 : i32
      %convert_element_type3A_740 = arith.extui %lt3A_739 : i1 to i32
      %cond3A_741 = arith.constant 0 : i32
      %cond3A_742 = arith.cmpi ne, %convert_element_type3A_740, %cond3A_741 : i32
      scf.if %cond3A_742 {
        %add3A_916 = arith.constant 8 : i32
        %add3A_917 = arith.addi %add3A_658, %add3A_916 : i32
        %get3A_918 = arith.index_cast %add3A_917 : i32 to index
        %get3A_919 = tpu.vector_load %arg8[%get3A_918] {strides = array<i32>} : memref<528xi32, #tpu.memory_space<vmem>>, vector<16xi32>,
        %get3A_920 = vector.shape_cast %get3A_919 : vector<16xi32> to vector<16xi32>
        %slice3A_921 = vector.extract_strided_slice %get3A_920 {offsets = [0], sizes = [1], strides = [1]} : vector<16xi32> to vector<1xi32>
        %squeeze3A_922 = vector.extract %slice3A_921[0] : i32 from vector<1xi32>
        %get3A_923 = arith.index_cast %add3A_917 : i32 to index
        %get3A_924 = tpu.vector_load %arg9[%get3A_923] {strides = array<i32>} : memref<528xi32, #tpu.memory_space<vmem>>, vector<16xi32>,
        %get3A_925 = vector.shape_cast %get3A_924 : vector<16xi32> to vector<16xi32>
        %slice3A_926 = vector.extract_strided_slice %get3A_925 {offsets = [0], sizes = [1], strides = [1]} : vector<16xi32> to vector<1xi32>
        %squeeze3A_927 = vector.extract %slice3A_926[0] : i32 from vector<1xi32>
        %dma_start3A_928 = arith.constant 5 : i32
        %dma_start3A_929 = arith.constant 0 : i32
        %dma_start3A_930 = tpu.memref_slice %arg5[%squeeze3A_922, %dma_start3A_929] : memref<100001x32xf32, #tpu.memory_space<hbm>> -> memref<1x32xf32, #tpu.memory_space<hbm>>
        %dma_start3A_931 = tpu.memref_squeeze %dma_start3A_930 : memref<1x32xf32, #tpu.memory_space<hbm>> -> memref<32xf32, #tpu.memory_space<hbm>>
        %dma_start3A_932 = tpu.memref_slice %arg28[%dma_start3A_928] : memref<8x!tpu.dma_semaphore, #tpu.memory_space<semaphore_mem>> -> memref<1x!tpu.dma_semaphore, #tpu.memory_space<semaphore_mem>>
        %dma_start3A_933 = tpu.memref_squeeze %dma_start3A_932 : memref<1x!tpu.dma_semaphore, #tpu.memory_space<semaphore_mem>> -> memref<!tpu.dma_semaphore, #tpu.memory_space<semaphore_mem>>
        %dma_start3A_934 = arith.constant 0 : i32
        %dma_start3A_935 = tpu.memref_slice %arg5[%squeeze3A_922, %dma_start3A_934] : memref<100001x32xf32, #tpu.memory_space<hbm>> -> memref<1x32xf32, #tpu.memory_space<hbm>>
        %dma_start3A_936 = tpu.memref_squeeze %dma_start3A_935 : memref<1x32xf32, #tpu.memory_space<hbm>> -> memref<32xf32, #tpu.memory_space<hbm>>
        tpu.enqueue_dma source(%dma_start3A_936 : memref<32xf32, #tpu.memory_space<hbm>>) target(%arg17 : memref<32xf32, #tpu.memory_space<vmem>>) target_semaphore(%dma_start3A_933 : memref<!tpu.dma_semaphore, #tpu.memory_space<semaphore_mem>>)
        %dma_start3A_937 = arith.constant 5 : i32
        %dma_start3A_938 = arith.constant 0 : i32
        %dma_start3A_939 = tpu.memref_slice %arg6[%squeeze3A_927, %dma_start3A_938] : memref<100002x31xf32, #tpu.memory_space<hbm>> -> memref<1x31xf32, #tpu.memory_space<hbm>>
        %dma_start3A_940 = tpu.memref_squeeze %dma_start3A_939 : memref<1x31xf32, #tpu.memory_space<hbm>> -> memref<31xf32, #tpu.memory_space<hbm>>
        %dma_start3A_941 = tpu.memref_slice %arg29[%dma_start3A_937] : memref<8x!tpu.dma_semaphore, #tpu.memory_space<semaphore_mem>> -> memref<1x!tpu.dma_semaphore, #tpu.memory_space<semaphore_mem>>
        %dma_start3A_942 = tpu.memref_squeeze %dma_start3A_941 : memref<1x!tpu.dma_semaphore, #tpu.memory_space<semaphore_mem>> -> memref<!tpu.dma_semaphore, #tpu.memory_space<semaphore_mem>>
        %dma_start3A_943 = arith.constant 0 : i32
        %dma_start3A_944 = tpu.memref_slice %arg6[%squeeze3A_927, %dma_start3A_943] : memref<100002x31xf32, #tpu.memory_space<hbm>> -> memref<1x31xf32, #tpu.memory_space<hbm>>
        %dma_start3A_945 = tpu.memref_squeeze %dma_start3A_944 : memref<1x31xf32, #tpu.memory_space<hbm>> -> memref<31xf32, #tpu.memory_space<hbm>>
        tpu.enqueue_dma source(%dma_start3A_945 : memref<31xf32, #tpu.memory_space<hbm>>) target(%arg25 : memref<31xf32, #tpu.memory_space<vmem>>) target_semaphore(%dma_start3A_942 : memref<!tpu.dma_semaphore, #tpu.memory_space<semaphore_mem>>)
      } else {
      }
      %add3A_743 = arith.constant 6 : i32
      %add3A_744 = arith.addi %mul3A_234, %add3A_743 : i32
      %dma_wait3A_745 = arith.constant 0 : i32
      %dma_wait3A_746 = arith.constant 6 : i32
      %dma_wait3A_747 = arith.constant 0 : i32
      %dma_wait3A_748 = tpu.memref_slice %arg5[%dma_wait3A_745, %dma_wait3A_747] : memref<100001x32xf32, #tpu.memory_space<hbm>> -> memref<1x32xf32, #tpu.memory_space<hbm>>
      %dma_wait3A_749 = tpu.memref_squeeze %dma_wait3A_748 : memref<1x32xf32, #tpu.memory_space<hbm>> -> memref<32xf32, #tpu.memory_space<hbm>>
      %dma_wait3A_750 = tpu.memref_slice %arg28[%dma_wait3A_746] : memref<8x!tpu.dma_semaphore, #tpu.memory_space<semaphore_mem>> -> memref<1x!tpu.dma_semaphore, #tpu.memory_space<semaphore_mem>>
      %dma_wait3A_751 = tpu.memref_squeeze %dma_wait3A_750 : memref<1x!tpu.dma_semaphore, #tpu.memory_space<semaphore_mem>> -> memref<!tpu.dma_semaphore, #tpu.memory_space<semaphore_mem>>
      %dma_wait3A_752 = arith.constant 0 : i32
      %dma_wait3A_753 = tpu.memref_slice %arg5[%dma_wait3A_745, %dma_wait3A_752] : memref<100001x32xf32, #tpu.memory_space<hbm>> -> memref<1x32xf32, #tpu.memory_space<hbm>>
      %dma_wait3A_754 = tpu.memref_squeeze %dma_wait3A_753 : memref<1x32xf32, #tpu.memory_space<hbm>> -> memref<32xf32, #tpu.memory_space<hbm>>
      tpu.wait_dma2 semaphore(%dma_wait3A_751 : memref<!tpu.dma_semaphore, #tpu.memory_space<semaphore_mem>>) src(%dma_wait3A_754 : memref<32xf32, #tpu.memory_space<hbm>>) dst(%arg18 : memref<32xf32, #tpu.memory_space<vmem>>)
      %dma_wait3A_755 = arith.constant 0 : i32
      %dma_wait3A_756 = arith.constant 6 : i32
      %dma_wait3A_757 = arith.constant 0 : i32
      %dma_wait3A_758 = tpu.memref_slice %arg6[%dma_wait3A_755, %dma_wait3A_757] : memref<100002x31xf32, #tpu.memory_space<hbm>> -> memref<1x31xf32, #tpu.memory_space<hbm>>
      %dma_wait3A_759 = tpu.memref_squeeze %dma_wait3A_758 : memref<1x31xf32, #tpu.memory_space<hbm>> -> memref<31xf32, #tpu.memory_space<hbm>>
      %dma_wait3A_760 = tpu.memref_slice %arg29[%dma_wait3A_756] : memref<8x!tpu.dma_semaphore, #tpu.memory_space<semaphore_mem>> -> memref<1x!tpu.dma_semaphore, #tpu.memory_space<semaphore_mem>>
      %dma_wait3A_761 = tpu.memref_squeeze %dma_wait3A_760 : memref<1x!tpu.dma_semaphore, #tpu.memory_space<semaphore_mem>> -> memref<!tpu.dma_semaphore, #tpu.memory_space<semaphore_mem>>
      %dma_wait3A_762 = arith.constant 0 : i32
      %dma_wait3A_763 = tpu.memref_slice %arg6[%dma_wait3A_755, %dma_wait3A_762] : memref<100002x31xf32, #tpu.memory_space<hbm>> -> memref<1x31xf32, #tpu.memory_space<hbm>>
      %dma_wait3A_764 = tpu.memref_squeeze %dma_wait3A_763 : memref<1x31xf32, #tpu.memory_space<hbm>> -> memref<31xf32, #tpu.memory_space<hbm>>
      tpu.wait_dma2 semaphore(%dma_wait3A_761 : memref<!tpu.dma_semaphore, #tpu.memory_space<semaphore_mem>>) src(%dma_wait3A_764 : memref<31xf32, #tpu.memory_space<hbm>>) dst(%arg26 : memref<31xf32, #tpu.memory_space<vmem>>)
      %mul3A_765 = arith.constant 64 : i32
      %mul3A_766 = arith.muli %add3A_744, %mul3A_765 : i32
      %get3A_767 = arith.constant 0 : index
      %get3A_768 = tpu.vector_load %arg18[%get3A_767] {strides = array<i32>} : memref<32xf32, #tpu.memory_space<vmem>>, vector<16xf32>,
      %get3A_769 = vector.shape_cast %get3A_768 : vector<16xf32> to vector<16xf32>
      %swap3A_770 = arith.index_cast %mul3A_766 : i32 to index
      %swap3A_771 = tpu.vector_load %arg11[%swap3A_770] {strides = array<i32>} : memref<32768xf32, #tpu.memory_space<vmem>>, vector<16xf32>,
      %swap3A_772 = vector.shape_cast %swap3A_771 : vector<16xf32> to vector<16xf32>
      %swap3A_773 = vector.shape_cast %get3A_769 : vector<16xf32> to vector<16xf32>
      tpu.vector_store %arg11[%swap3A_770], %swap3A_773 {strides = array<i32>} : memref<32768xf32, #tpu.memory_space<vmem>>, vector<16xf32>,
      %get3A_774 = arith.constant 16 : index
      %get3A_775 = tpu.vector_load %arg18[%get3A_774] {strides = array<i32>} : memref<32xf32, #tpu.memory_space<vmem>>, vector<16xf32>,
      %get3A_776 = vector.shape_cast %get3A_775 : vector<16xf32> to vector<16xf32>
      %add3A_777 = arith.constant 16 : i32
      %add3A_778 = arith.addi %mul3A_766, %add3A_777 : i32
      %swap3A_779 = arith.index_cast %add3A_778 : i32 to index
      %swap3A_780 = tpu.vector_load %arg11[%swap3A_779] {strides = array<i32>} : memref<32768xf32, #tpu.memory_space<vmem>>, vector<16xf32>,
      %swap3A_781 = vector.shape_cast %swap3A_780 : vector<16xf32> to vector<16xf32>
      %swap3A_782 = vector.shape_cast %get3A_776 : vector<16xf32> to vector<16xf32>
      tpu.vector_store %arg11[%swap3A_779], %swap3A_782 {strides = array<i32>} : memref<32768xf32, #tpu.memory_space<vmem>>, vector<16xf32>,
      %get3A_783 = arith.constant 0 : index
      %get3A_784 = tpu.vector_load %arg26[%get3A_783] {strides = array<i32>} : memref<31xf32, #tpu.memory_space<vmem>>, vector<16xf32>,
      %get3A_785 = vector.shape_cast %get3A_784 : vector<16xf32> to vector<16xf32>
      %add3A_786 = arith.constant 33 : i32
      %add3A_787 = arith.addi %mul3A_766, %add3A_786 : i32
      %swap3A_788 = arith.index_cast %add3A_787 : i32 to index
      %swap3A_789 = tpu.vector_load %arg11[%swap3A_788] {strides = array<i32>} : memref<32768xf32, #tpu.memory_space<vmem>>, vector<16xf32>,
      %swap3A_790 = vector.shape_cast %swap3A_789 : vector<16xf32> to vector<16xf32>
      %swap3A_791 = vector.shape_cast %get3A_785 : vector<16xf32> to vector<16xf32>
      tpu.vector_store %arg11[%swap3A_788], %swap3A_791 {strides = array<i32>} : memref<32768xf32, #tpu.memory_space<vmem>>, vector<16xf32>,
      %get3A_792 = arith.constant 15 : index
      %get3A_793 = tpu.vector_load %arg26[%get3A_792] {strides = array<i32>} : memref<31xf32, #tpu.memory_space<vmem>>, vector<16xf32>,
      %get3A_794 = vector.shape_cast %get3A_793 : vector<16xf32> to vector<16xf32>
      %add3A_795 = arith.constant 48 : i32
      %add3A_796 = arith.addi %mul3A_766, %add3A_795 : i32
      %swap3A_797 = arith.index_cast %add3A_796 : i32 to index
      %swap3A_798 = tpu.vector_load %arg11[%swap3A_797] {strides = array<i32>} : memref<32768xf32, #tpu.memory_space<vmem>>, vector<16xf32>,
      %swap3A_799 = vector.shape_cast %swap3A_798 : vector<16xf32> to vector<16xf32>
      %swap3A_800 = vector.shape_cast %get3A_794 : vector<16xf32> to vector<16xf32>
      tpu.vector_store %arg11[%swap3A_797], %swap3A_800 {strides = array<i32>} : memref<32768xf32, #tpu.memory_space<vmem>>, vector<16xf32>,
      %get3A_801 = arith.index_cast %add3A_744 : i32 to index
      %get3A_802 = tpu.vector_load %arg10[%get3A_801] {strides = array<i32>} : memref<528xf32, #tpu.memory_space<vmem>>, vector<16xf32>,
      %get3A_803 = vector.shape_cast %get3A_802 : vector<16xf32> to vector<16xf32>
      %slice3A_804 = vector.extract_strided_slice %get3A_803 {offsets = [0], sizes = [1], strides = [1]} : vector<16xf32> to vector<1xf32>
      %squeeze3A_805 = vector.extract %slice3A_804[0] : f32 from vector<1xf32>
      %add3A_806 = arith.constant 32 : i32
      %add3A_807 = arith.addi %mul3A_766, %add3A_806 : i32
      %get3A_808 = arith.index_cast %add3A_807 : i32 to index
      %get3A_809 = tpu.vector_load %arg11[%get3A_808] {strides = array<i32>} : memref<32768xf32, #tpu.memory_space<vmem>>, vector<16xf32>,
      %get3A_810 = vector.shape_cast %get3A_809 : vector<16xf32> to vector<16xf32>
      %eq3A_811 = arith.constant 0 : i32
      %eq3A_812 = vector.broadcast %eq3A_811 : i32 to vector<16xi32>
      %eq3A_813 = arith.cmpi eq, %iota3A, %eq3A_812 : vector<16xi32>
      %broadcast_in_dim3A_814 = vector.broadcast %squeeze3A_805 : f32 to vector<16xf32>
      %select_n3A_815 = arith.select %eq3A_813, %broadcast_in_dim3A_814, %get3A_810 : vector<16xi1>, vector<16xf32>
      %add3A_816 = arith.constant 32 : i32
      %add3A_817 = arith.addi %mul3A_766, %add3A_816 : i32
      %swap3A_818 = arith.index_cast %add3A_817 : i32 to index
      %swap3A_819 = tpu.vector_load %arg11[%swap3A_818] {strides = array<i32>} : memref<32768xf32, #tpu.memory_space<vmem>>, vector<16xf32>,
      %swap3A_820 = vector.shape_cast %swap3A_819 : vector<16xf32> to vector<16xf32>
      %swap3A_821 = vector.shape_cast %select_n3A_815 : vector<16xf32> to vector<16xf32>
      tpu.vector_store %arg11[%swap3A_818], %swap3A_821 {strides = array<i32>} : memref<32768xf32, #tpu.memory_space<vmem>>, vector<16xf32>,
      %add3A_822 = arith.constant 8 : i32
      %add3A_823 = arith.addi %add3A_744, %add3A_822 : i32
      %lt3A_824 = arith.constant 512 : i32
      %lt3A_825 = arith.cmpi slt, %add3A_823, %lt3A_824 : i32
      %convert_element_type3A_826 = arith.extui %lt3A_825 : i1 to i32
      %cond3A_827 = arith.constant 0 : i32
      %cond3A_828 = arith.cmpi ne, %convert_element_type3A_826, %cond3A_827 : i32
      scf.if %cond3A_828 {
        %add3A_916 = arith.constant 8 : i32
        %add3A_917 = arith.addi %add3A_744, %add3A_916 : i32
        %get3A_918 = arith.index_cast %add3A_917 : i32 to index
        %get3A_919 = tpu.vector_load %arg8[%get3A_918] {strides = array<i32>} : memref<528xi32, #tpu.memory_space<vmem>>, vector<16xi32>,
        %get3A_920 = vector.shape_cast %get3A_919 : vector<16xi32> to vector<16xi32>
        %slice3A_921 = vector.extract_strided_slice %get3A_920 {offsets = [0], sizes = [1], strides = [1]} : vector<16xi32> to vector<1xi32>
        %squeeze3A_922 = vector.extract %slice3A_921[0] : i32 from vector<1xi32>
        %get3A_923 = arith.index_cast %add3A_917 : i32 to index
        %get3A_924 = tpu.vector_load %arg9[%get3A_923] {strides = array<i32>} : memref<528xi32, #tpu.memory_space<vmem>>, vector<16xi32>,
        %get3A_925 = vector.shape_cast %get3A_924 : vector<16xi32> to vector<16xi32>
        %slice3A_926 = vector.extract_strided_slice %get3A_925 {offsets = [0], sizes = [1], strides = [1]} : vector<16xi32> to vector<1xi32>
        %squeeze3A_927 = vector.extract %slice3A_926[0] : i32 from vector<1xi32>
        %dma_start3A_928 = arith.constant 6 : i32
        %dma_start3A_929 = arith.constant 0 : i32
        %dma_start3A_930 = tpu.memref_slice %arg5[%squeeze3A_922, %dma_start3A_929] : memref<100001x32xf32, #tpu.memory_space<hbm>> -> memref<1x32xf32, #tpu.memory_space<hbm>>
        %dma_start3A_931 = tpu.memref_squeeze %dma_start3A_930 : memref<1x32xf32, #tpu.memory_space<hbm>> -> memref<32xf32, #tpu.memory_space<hbm>>
        %dma_start3A_932 = tpu.memref_slice %arg28[%dma_start3A_928] : memref<8x!tpu.dma_semaphore, #tpu.memory_space<semaphore_mem>> -> memref<1x!tpu.dma_semaphore, #tpu.memory_space<semaphore_mem>>
        %dma_start3A_933 = tpu.memref_squeeze %dma_start3A_932 : memref<1x!tpu.dma_semaphore, #tpu.memory_space<semaphore_mem>> -> memref<!tpu.dma_semaphore, #tpu.memory_space<semaphore_mem>>
        %dma_start3A_934 = arith.constant 0 : i32
        %dma_start3A_935 = tpu.memref_slice %arg5[%squeeze3A_922, %dma_start3A_934] : memref<100001x32xf32, #tpu.memory_space<hbm>> -> memref<1x32xf32, #tpu.memory_space<hbm>>
        %dma_start3A_936 = tpu.memref_squeeze %dma_start3A_935 : memref<1x32xf32, #tpu.memory_space<hbm>> -> memref<32xf32, #tpu.memory_space<hbm>>
        tpu.enqueue_dma source(%dma_start3A_936 : memref<32xf32, #tpu.memory_space<hbm>>) target(%arg18 : memref<32xf32, #tpu.memory_space<vmem>>) target_semaphore(%dma_start3A_933 : memref<!tpu.dma_semaphore, #tpu.memory_space<semaphore_mem>>)
        %dma_start3A_937 = arith.constant 6 : i32
        %dma_start3A_938 = arith.constant 0 : i32
        %dma_start3A_939 = tpu.memref_slice %arg6[%squeeze3A_927, %dma_start3A_938] : memref<100002x31xf32, #tpu.memory_space<hbm>> -> memref<1x31xf32, #tpu.memory_space<hbm>>
        %dma_start3A_940 = tpu.memref_squeeze %dma_start3A_939 : memref<1x31xf32, #tpu.memory_space<hbm>> -> memref<31xf32, #tpu.memory_space<hbm>>
        %dma_start3A_941 = tpu.memref_slice %arg29[%dma_start3A_937] : memref<8x!tpu.dma_semaphore, #tpu.memory_space<semaphore_mem>> -> memref<1x!tpu.dma_semaphore, #tpu.memory_space<semaphore_mem>>
        %dma_start3A_942 = tpu.memref_squeeze %dma_start3A_941 : memref<1x!tpu.dma_semaphore, #tpu.memory_space<semaphore_mem>> -> memref<!tpu.dma_semaphore, #tpu.memory_space<semaphore_mem>>
        %dma_start3A_943 = arith.constant 0 : i32
        %dma_start3A_944 = tpu.memref_slice %arg6[%squeeze3A_927, %dma_start3A_943] : memref<100002x31xf32, #tpu.memory_space<hbm>> -> memref<1x31xf32, #tpu.memory_space<hbm>>
        %dma_start3A_945 = tpu.memref_squeeze %dma_start3A_944 : memref<1x31xf32, #tpu.memory_space<hbm>> -> memref<31xf32, #tpu.memory_space<hbm>>
        tpu.enqueue_dma source(%dma_start3A_945 : memref<31xf32, #tpu.memory_space<hbm>>) target(%arg26 : memref<31xf32, #tpu.memory_space<vmem>>) target_semaphore(%dma_start3A_942 : memref<!tpu.dma_semaphore, #tpu.memory_space<semaphore_mem>>)
      } else {
      }
      %add3A_829 = arith.constant 7 : i32
      %add3A_830 = arith.addi %mul3A_234, %add3A_829 : i32
      %dma_wait3A_831 = arith.constant 0 : i32
      %dma_wait3A_832 = arith.constant 7 : i32
      %dma_wait3A_833 = arith.constant 0 : i32
      %dma_wait3A_834 = tpu.memref_slice %arg5[%dma_wait3A_831, %dma_wait3A_833] : memref<100001x32xf32, #tpu.memory_space<hbm>> -> memref<1x32xf32, #tpu.memory_space<hbm>>
      %dma_wait3A_835 = tpu.memref_squeeze %dma_wait3A_834 : memref<1x32xf32, #tpu.memory_space<hbm>> -> memref<32xf32, #tpu.memory_space<hbm>>
      %dma_wait3A_836 = tpu.memref_slice %arg28[%dma_wait3A_832] : memref<8x!tpu.dma_semaphore, #tpu.memory_space<semaphore_mem>> -> memref<1x!tpu.dma_semaphore, #tpu.memory_space<semaphore_mem>>
      %dma_wait3A_837 = tpu.memref_squeeze %dma_wait3A_836 : memref<1x!tpu.dma_semaphore, #tpu.memory_space<semaphore_mem>> -> memref<!tpu.dma_semaphore, #tpu.memory_space<semaphore_mem>>
      %dma_wait3A_838 = arith.constant 0 : i32
      %dma_wait3A_839 = tpu.memref_slice %arg5[%dma_wait3A_831, %dma_wait3A_838] : memref<100001x32xf32, #tpu.memory_space<hbm>> -> memref<1x32xf32, #tpu.memory_space<hbm>>
      %dma_wait3A_840 = tpu.memref_squeeze %dma_wait3A_839 : memref<1x32xf32, #tpu.memory_space<hbm>> -> memref<32xf32, #tpu.memory_space<hbm>>
      tpu.wait_dma2 semaphore(%dma_wait3A_837 : memref<!tpu.dma_semaphore, #tpu.memory_space<semaphore_mem>>) src(%dma_wait3A_840 : memref<32xf32, #tpu.memory_space<hbm>>) dst(%arg19 : memref<32xf32, #tpu.memory_space<vmem>>)
      %dma_wait3A_841 = arith.constant 0 : i32
      %dma_wait3A_842 = arith.constant 7 : i32
      %dma_wait3A_843 = arith.constant 0 : i32
      %dma_wait3A_844 = tpu.memref_slice %arg6[%dma_wait3A_841, %dma_wait3A_843] : memref<100002x31xf32, #tpu.memory_space<hbm>> -> memref<1x31xf32, #tpu.memory_space<hbm>>
      %dma_wait3A_845 = tpu.memref_squeeze %dma_wait3A_844 : memref<1x31xf32, #tpu.memory_space<hbm>> -> memref<31xf32, #tpu.memory_space<hbm>>
      %dma_wait3A_846 = tpu.memref_slice %arg29[%dma_wait3A_842] : memref<8x!tpu.dma_semaphore, #tpu.memory_space<semaphore_mem>> -> memref<1x!tpu.dma_semaphore, #tpu.memory_space<semaphore_mem>>
      %dma_wait3A_847 = tpu.memref_squeeze %dma_wait3A_846 : memref<1x!tpu.dma_semaphore, #tpu.memory_space<semaphore_mem>> -> memref<!tpu.dma_semaphore, #tpu.memory_space<semaphore_mem>>
      %dma_wait3A_848 = arith.constant 0 : i32
      %dma_wait3A_849 = tpu.memref_slice %arg6[%dma_wait3A_841, %dma_wait3A_848] : memref<100002x31xf32, #tpu.memory_space<hbm>> -> memref<1x31xf32, #tpu.memory_space<hbm>>
      %dma_wait3A_850 = tpu.memref_squeeze %dma_wait3A_849 : memref<1x31xf32, #tpu.memory_space<hbm>> -> memref<31xf32, #tpu.memory_space<hbm>>
      tpu.wait_dma2 semaphore(%dma_wait3A_847 : memref<!tpu.dma_semaphore, #tpu.memory_space<semaphore_mem>>) src(%dma_wait3A_850 : memref<31xf32, #tpu.memory_space<hbm>>) dst(%arg27 : memref<31xf32, #tpu.memory_space<vmem>>)
      %mul3A_851 = arith.constant 64 : i32
      %mul3A_852 = arith.muli %add3A_830, %mul3A_851 : i32
      %get3A_853 = arith.constant 0 : index
      %get3A_854 = tpu.vector_load %arg19[%get3A_853] {strides = array<i32>} : memref<32xf32, #tpu.memory_space<vmem>>, vector<16xf32>,
      %get3A_855 = vector.shape_cast %get3A_854 : vector<16xf32> to vector<16xf32>
      %swap3A_856 = arith.index_cast %mul3A_852 : i32 to index
      %swap3A_857 = tpu.vector_load %arg11[%swap3A_856] {strides = array<i32>} : memref<32768xf32, #tpu.memory_space<vmem>>, vector<16xf32>,
      %swap3A_858 = vector.shape_cast %swap3A_857 : vector<16xf32> to vector<16xf32>
      %swap3A_859 = vector.shape_cast %get3A_855 : vector<16xf32> to vector<16xf32>
      tpu.vector_store %arg11[%swap3A_856], %swap3A_859 {strides = array<i32>} : memref<32768xf32, #tpu.memory_space<vmem>>, vector<16xf32>,
      %get3A_860 = arith.constant 16 : index
      %get3A_861 = tpu.vector_load %arg19[%get3A_860] {strides = array<i32>} : memref<32xf32, #tpu.memory_space<vmem>>, vector<16xf32>,
      %get3A_862 = vector.shape_cast %get3A_861 : vector<16xf32> to vector<16xf32>
      %add3A_863 = arith.constant 16 : i32
      %add3A_864 = arith.addi %mul3A_852, %add3A_863 : i32
      %swap3A_865 = arith.index_cast %add3A_864 : i32 to index
      %swap3A_866 = tpu.vector_load %arg11[%swap3A_865] {strides = array<i32>} : memref<32768xf32, #tpu.memory_space<vmem>>, vector<16xf32>,
      %swap3A_867 = vector.shape_cast %swap3A_866 : vector<16xf32> to vector<16xf32>
      %swap3A_868 = vector.shape_cast %get3A_862 : vector<16xf32> to vector<16xf32>
      tpu.vector_store %arg11[%swap3A_865], %swap3A_868 {strides = array<i32>} : memref<32768xf32, #tpu.memory_space<vmem>>, vector<16xf32>,
      %get3A_869 = arith.constant 0 : index
      %get3A_870 = tpu.vector_load %arg27[%get3A_869] {strides = array<i32>} : memref<31xf32, #tpu.memory_space<vmem>>, vector<16xf32>,
      %get3A_871 = vector.shape_cast %get3A_870 : vector<16xf32> to vector<16xf32>
      %add3A_872 = arith.constant 33 : i32
      %add3A_873 = arith.addi %mul3A_852, %add3A_872 : i32
      %swap3A_874 = arith.index_cast %add3A_873 : i32 to index
      %swap3A_875 = tpu.vector_load %arg11[%swap3A_874] {strides = array<i32>} : memref<32768xf32, #tpu.memory_space<vmem>>, vector<16xf32>,
      %swap3A_876 = vector.shape_cast %swap3A_875 : vector<16xf32> to vector<16xf32>
      %swap3A_877 = vector.shape_cast %get3A_871 : vector<16xf32> to vector<16xf32>
      tpu.vector_store %arg11[%swap3A_874], %swap3A_877 {strides = array<i32>} : memref<32768xf32, #tpu.memory_space<vmem>>, vector<16xf32>,
      %get3A_878 = arith.constant 15 : index
      %get3A_879 = tpu.vector_load %arg27[%get3A_878] {strides = array<i32>} : memref<31xf32, #tpu.memory_space<vmem>>, vector<16xf32>,
      %get3A_880 = vector.shape_cast %get3A_879 : vector<16xf32> to vector<16xf32>
      %add3A_881 = arith.constant 48 : i32
      %add3A_882 = arith.addi %mul3A_852, %add3A_881 : i32
      %swap3A_883 = arith.index_cast %add3A_882 : i32 to index
      %swap3A_884 = tpu.vector_load %arg11[%swap3A_883] {strides = array<i32>} : memref<32768xf32, #tpu.memory_space<vmem>>, vector<16xf32>,
      %swap3A_885 = vector.shape_cast %swap3A_884 : vector<16xf32> to vector<16xf32>
      %swap3A_886 = vector.shape_cast %get3A_880 : vector<16xf32> to vector<16xf32>
      tpu.vector_store %arg11[%swap3A_883], %swap3A_886 {strides = array<i32>} : memref<32768xf32, #tpu.memory_space<vmem>>, vector<16xf32>,
      %get3A_887 = arith.index_cast %add3A_830 : i32 to index
      %get3A_888 = tpu.vector_load %arg10[%get3A_887] {strides = array<i32>} : memref<528xf32, #tpu.memory_space<vmem>>, vector<16xf32>,
      %get3A_889 = vector.shape_cast %get3A_888 : vector<16xf32> to vector<16xf32>
      %slice3A_890 = vector.extract_strided_slice %get3A_889 {offsets = [0], sizes = [1], strides = [1]} : vector<16xf32> to vector<1xf32>
      %squeeze3A_891 = vector.extract %slice3A_890[0] : f32 from vector<1xf32>
      %add3A_892 = arith.constant 32 : i32
      %add3A_893 = arith.addi %mul3A_852, %add3A_892 : i32
      %get3A_894 = arith.index_cast %add3A_893 : i32 to index
      %get3A_895 = tpu.vector_load %arg11[%get3A_894] {strides = array<i32>} : memref<32768xf32, #tpu.memory_space<vmem>>, vector<16xf32>,
      %get3A_896 = vector.shape_cast %get3A_895 : vector<16xf32> to vector<16xf32>
      %eq3A_897 = arith.constant 0 : i32
      %eq3A_898 = vector.broadcast %eq3A_897 : i32 to vector<16xi32>
      %eq3A_899 = arith.cmpi eq, %iota3A, %eq3A_898 : vector<16xi32>
      %broadcast_in_dim3A_900 = vector.broadcast %squeeze3A_891 : f32 to vector<16xf32>
      %select_n3A_901 = arith.select %eq3A_899, %broadcast_in_dim3A_900, %get3A_896 : vector<16xi1>, vector<16xf32>
      %add3A_902 = arith.constant 32 : i32
      %add3A_903 = arith.addi %mul3A_852, %add3A_902 : i32
      %swap3A_904 = arith.index_cast %add3A_903 : i32 to index
      %swap3A_905 = tpu.vector_load %arg11[%swap3A_904] {strides = array<i32>} : memref<32768xf32, #tpu.memory_space<vmem>>, vector<16xf32>,
      %swap3A_906 = vector.shape_cast %swap3A_905 : vector<16xf32> to vector<16xf32>
      %swap3A_907 = vector.shape_cast %select_n3A_901 : vector<16xf32> to vector<16xf32>
      tpu.vector_store %arg11[%swap3A_904], %swap3A_907 {strides = array<i32>} : memref<32768xf32, #tpu.memory_space<vmem>>, vector<16xf32>,
      %add3A_908 = arith.constant 8 : i32
      %add3A_909 = arith.addi %add3A_830, %add3A_908 : i32
      %lt3A_910 = arith.constant 512 : i32
      %lt3A_911 = arith.cmpi slt, %add3A_909, %lt3A_910 : i32
      %convert_element_type3A_912 = arith.extui %lt3A_911 : i1 to i32
      %cond3A_913 = arith.constant 0 : i32
      %cond3A_914 = arith.cmpi ne, %convert_element_type3A_912, %cond3A_913 : i32
      scf.if %cond3A_914 {
        %add3A_916 = arith.constant 8 : i32
        %add3A_917 = arith.addi %add3A_830, %add3A_916 : i32
        %get3A_918 = arith.index_cast %add3A_917 : i32 to index
        %get3A_919 = tpu.vector_load %arg8[%get3A_918] {strides = array<i32>} : memref<528xi32, #tpu.memory_space<vmem>>, vector<16xi32>,
        %get3A_920 = vector.shape_cast %get3A_919 : vector<16xi32> to vector<16xi32>
        %slice3A_921 = vector.extract_strided_slice %get3A_920 {offsets = [0], sizes = [1], strides = [1]} : vector<16xi32> to vector<1xi32>
        %squeeze3A_922 = vector.extract %slice3A_921[0] : i32 from vector<1xi32>
        %get3A_923 = arith.index_cast %add3A_917 : i32 to index
        %get3A_924 = tpu.vector_load %arg9[%get3A_923] {strides = array<i32>} : memref<528xi32, #tpu.memory_space<vmem>>, vector<16xi32>,
        %get3A_925 = vector.shape_cast %get3A_924 : vector<16xi32> to vector<16xi32>
        %slice3A_926 = vector.extract_strided_slice %get3A_925 {offsets = [0], sizes = [1], strides = [1]} : vector<16xi32> to vector<1xi32>
        %squeeze3A_927 = vector.extract %slice3A_926[0] : i32 from vector<1xi32>
        %dma_start3A_928 = arith.constant 7 : i32
        %dma_start3A_929 = arith.constant 0 : i32
        %dma_start3A_930 = tpu.memref_slice %arg5[%squeeze3A_922, %dma_start3A_929] : memref<100001x32xf32, #tpu.memory_space<hbm>> -> memref<1x32xf32, #tpu.memory_space<hbm>>
        %dma_start3A_931 = tpu.memref_squeeze %dma_start3A_930 : memref<1x32xf32, #tpu.memory_space<hbm>> -> memref<32xf32, #tpu.memory_space<hbm>>
        %dma_start3A_932 = tpu.memref_slice %arg28[%dma_start3A_928] : memref<8x!tpu.dma_semaphore, #tpu.memory_space<semaphore_mem>> -> memref<1x!tpu.dma_semaphore, #tpu.memory_space<semaphore_mem>>
        %dma_start3A_933 = tpu.memref_squeeze %dma_start3A_932 : memref<1x!tpu.dma_semaphore, #tpu.memory_space<semaphore_mem>> -> memref<!tpu.dma_semaphore, #tpu.memory_space<semaphore_mem>>
        %dma_start3A_934 = arith.constant 0 : i32
        %dma_start3A_935 = tpu.memref_slice %arg5[%squeeze3A_922, %dma_start3A_934] : memref<100001x32xf32, #tpu.memory_space<hbm>> -> memref<1x32xf32, #tpu.memory_space<hbm>>
        %dma_start3A_936 = tpu.memref_squeeze %dma_start3A_935 : memref<1x32xf32, #tpu.memory_space<hbm>> -> memref<32xf32, #tpu.memory_space<hbm>>
        tpu.enqueue_dma source(%dma_start3A_936 : memref<32xf32, #tpu.memory_space<hbm>>) target(%arg19 : memref<32xf32, #tpu.memory_space<vmem>>) target_semaphore(%dma_start3A_933 : memref<!tpu.dma_semaphore, #tpu.memory_space<semaphore_mem>>)
        %dma_start3A_937 = arith.constant 7 : i32
        %dma_start3A_938 = arith.constant 0 : i32
        %dma_start3A_939 = tpu.memref_slice %arg6[%squeeze3A_927, %dma_start3A_938] : memref<100002x31xf32, #tpu.memory_space<hbm>> -> memref<1x31xf32, #tpu.memory_space<hbm>>
        %dma_start3A_940 = tpu.memref_squeeze %dma_start3A_939 : memref<1x31xf32, #tpu.memory_space<hbm>> -> memref<31xf32, #tpu.memory_space<hbm>>
        %dma_start3A_941 = tpu.memref_slice %arg29[%dma_start3A_937] : memref<8x!tpu.dma_semaphore, #tpu.memory_space<semaphore_mem>> -> memref<1x!tpu.dma_semaphore, #tpu.memory_space<semaphore_mem>>
        %dma_start3A_942 = tpu.memref_squeeze %dma_start3A_941 : memref<1x!tpu.dma_semaphore, #tpu.memory_space<semaphore_mem>> -> memref<!tpu.dma_semaphore, #tpu.memory_space<semaphore_mem>>
        %dma_start3A_943 = arith.constant 0 : i32
        %dma_start3A_944 = tpu.memref_slice %arg6[%squeeze3A_927, %dma_start3A_943] : memref<100002x31xf32, #tpu.memory_space<hbm>> -> memref<1x31xf32, #tpu.memory_space<hbm>>
        %dma_start3A_945 = tpu.memref_squeeze %dma_start3A_944 : memref<1x31xf32, #tpu.memory_space<hbm>> -> memref<31xf32, #tpu.memory_space<hbm>>
        tpu.enqueue_dma source(%dma_start3A_945 : memref<31xf32, #tpu.memory_space<hbm>>) target(%arg27 : memref<31xf32, #tpu.memory_space<vmem>>) target_semaphore(%dma_start3A_942 : memref<!tpu.dma_semaphore, #tpu.memory_space<semaphore_mem>>)
      } else {
      }
      %scan3A_915 = arith.constant 0 : i32
      scf.yield %scan3A_915 : i32
    }
    %scan3A_228 = arith.constant 64 : i32
    %mul3A_229 = arith.constant 64 : i32
    %mul3A_230 = arith.muli %mul3A_2, %mul3A_229 : i32
    "tpu.region"() ({
      %run_scoped3A = tpu.sem_alloc : memref<!tpu.dma_semaphore, #tpu.memory_space<semaphore_mem>>
      %dma_start3A_231 = tpu.memref_slice %arg7[%mul3A_230] : memref<1048576xf32, #tpu.memory_space<hbm>> -> memref<32768xf32, #tpu.memory_space<hbm>>
      %dma_start3A_232 = tpu.memref_slice %arg7[%mul3A_230] : memref<1048576xf32, #tpu.memory_space<hbm>> -> memref<32768xf32, #tpu.memory_space<hbm>>
      tpu.enqueue_dma source(%arg11 : memref<32768xf32, #tpu.memory_space<vmem>>) target(%dma_start3A_232 : memref<32768xf32, #tpu.memory_space<hbm>>) target_semaphore(%run_scoped3A : memref<!tpu.dma_semaphore, #tpu.memory_space<semaphore_mem>>)
      %dma_wait3A = tpu.memref_slice %arg7[%mul3A_230] : memref<1048576xf32, #tpu.memory_space<hbm>> -> memref<32768xf32, #tpu.memory_space<hbm>>
      %dma_wait3A_233 = tpu.memref_slice %arg7[%mul3A_230] : memref<1048576xf32, #tpu.memory_space<hbm>> -> memref<32768xf32, #tpu.memory_space<hbm>>
      tpu.wait_dma2 semaphore(%run_scoped3A : memref<!tpu.dma_semaphore, #tpu.memory_space<semaphore_mem>>) src(%arg11 : memref<32768xf32, #tpu.memory_space<vmem>>) dst(%dma_wait3A_233 : memref<32768xf32, #tpu.memory_space<hbm>>)
      tpu.yield
    }) : () -> ()
    return
  }
}

</mosaic_0001>

<sc_bundles>
// kernel: _run.3.cloned.1.call-start
scs
__scs_entry_jumppad:
0x0: {  	(pc) =	sbr.rel $0x88, $3  }
0x1: {  	(tag) =	ssettag $0x0;
	lr =	simm.s32 $0x1  }
0x2: {  	[smem:$0x3F9C] =	sst lr;
	_ =	strace $0xD0000000  }
0x3: {  	_ = 	snop  }
0x4: {  	_ = 	snop  }
0x5: {  	_ = 	snop  }
0x6: {  	_ = 	snop  }
0x7: {  	_ = 	snop  }
__scs_overlays_trampoline_lowered:
0x8: {  	[smem:$0x3FAB] =	sst s0  }
0x9: {  	[smem:$0x3FAC] =	sst s1  }
0xa: {  	[smem:$0x3FAD] =	sst s2  }
0xb: {  	[smem:$0x3FAE] =	sst s3  }
0xc: {  	[smem:$0x3FAF] =	sst s4  }
0xd: {  	[smem:$0x3FB0] =	sst s5  }
0xe: {  	[smem:$0x3FB1] =	sst s6  }
0xf: {  	[smem:$0x3FB2] =	sst s7  }
0x10: {  	[smem:$0x3FB3] =	sst s8  }
0x11: {  	[smem:$0x3FB4] =	sst s9;
	s0 =	simm.s32 @!p0 $0x0  }
0x12: {  	s1 =	sld [smem:$0x3F9A];
	s0 =	simm.s32 @p0 $0x1  }
0x13: {  	[smem:$0x3FB5] =	sst s0;
	s0 =	simm.s32 @!p1 $0x0  }
0x14: {  	s2 =	sld [smem:$0x3F99];
	s0 =	simm.s32 @p1 $0x1  }
0x15: {  	[smem:$0x3FB6] =	sst s0;
	s0 =	simm.s32 @!p2 $0x0  }
0x16: {  	s3 =	sld [smem:$0x3FDB];
	s0 =	simm.s32 @p2 $0x1  }
0x17: {  	s4 =	simm.s32 $0x1BF5;
	[smem:$0x3FB8] =	sst s0  }
0x18: {  	s0 =	sld [smem:$0x3F9B];
	_ =	swait.ge [sflag:s4], $0x0  }
0x19: {  	s7 =	sld [smem:$0x3F9C]  }
0x1a: {  	s8 =	sadd.s32 $0xFFFFE003, lr  }
0x1b: {  	s9 =	sadd.s32 $0xFFFFFEF7, lr;
	s5 =	simm.s32 $0xFFFFFFFF;
	p2 =	slt.u32 s8, $0xFFFFF086  }
0x1c: {  	p1 =	slt.u32 s9, $0xF7A;
	s5 =	simm.s32 @!p2 $0x0  }
0x1d: {  	s5 =	simm.s32 @p1 $0x1;
	p0 =	seq.s32 s7, s2  }
0x1e: {  	s7 =	smul.u32 @!p0 $0xF7A, s2;
	p2 =	seq.s32 @!p0 s5, $0x0  }
0x1f: {  	s9 =	smul.u32 $0xF7A, s1;
	s8 =	simm.s32 @!p0 $0x1BF5;
	p2 =	por !p2, p0  }
0x20: {  	[sflag:s8] =	ssyncset.s32 @!p0 $0xFFFFF086;
	s6 =	sadd.s32 @!p0 s3, s7;
	s7 =	simm.s32 @!p0 $0x108  }
0x21: {  	s3 =	sadd.s32 s3, s9;
	s6 =	sadd.s32 @!p0 $0x88, s6;
	s7 =	simm.s32 @p2 $0x1082  }
0x22: {  	[simem:s7], [sflag:s8] =	dma.local @!p0 [hbm:s6], $0xF7A  }
0x23: {  	s9 =	sor.u32 $0xD0000000, s2;
	s6 =	simm.s32 $0x108;
	_ =	swait.ge @!p0 [sflag:s8], $0x0  }
0x24: {  	s3 =	sadd.s32 $0x88, s3;
	s6 =	simm.s32 @!p1 $0x1082;
	[sflag:s4] =	ssyncset.s32 $0xFFFFF086  }
0x25: {  	[simem:s6], [sflag:s4] =	dma.local [hbm:s3], $0xF7A  }
0x26: {  	[smem:$0x3F9C] =	sst s1;
	(tag) =	ssettag s2;
	_ =	strace s9  }
0x27: {  	s1 =	sld [smem:$0x3FAC]  }
0x28: {  	s2 =	sld [smem:$0x3FAD]  }
0x29: {  	s4 =	sld [smem:$0x3FAF]  }
0x2a: {  	p0 =	seq.s32 s5, $0x0;
	s5 =	sld [smem:$0x3FB0]  }
0x2b: {  	s6 =	sld [smem:$0x3FB1]  }
0x2c: {  	s7 =	sld [smem:$0x3FB2]  }
0x2d: {  	s3 =	simm.s32 $0x108;
	s8 =	sld [smem:$0x3FB3]  }
0x2e: {  	s3 =	simm.s32 @!p0 $0x1082;
	s9 =	sld [smem:$0x3FB4]  }
0x2f: {  	lr =	sadd.s32 s0, s3;
	s0 =	sld [smem:$0x3FAB]  }
0x30: {  	s3 =	sld [smem:$0x3FAE]  }
0x31: {  	[smem:$0x3FB7] =	sst s10  }
0x32: {  	s10 =	sld [smem:$0x3FB5];
	_ =	sdelay $0x3  }
0x33: {  	p0 =	seq.s32 s10, $0x1;
	s10 =	sld [smem:$0x3FB7];
	_ =	sdelay $0x3  }
0x34: {  	[smem:$0x3FB7] =	sst s10  }
0x35: {  	s10 =	sld [smem:$0x3FB6];
	_ =	sdelay $0x3  }
0x36: {  	p1 =	seq.s32 s10, $0x1;
	s10 =	sld [smem:$0x3FB7];
	_ =	sdelay $0x3  }
0x37: {  	[smem:$0x3FB7] =	sst s10  }
0x38: {  	s10 =	sld [smem:$0x3FB8]  }
0x39: {  	_ = 	snop;
	(pc) =	sbr.ind lr, $3  }
0x3a: {  	_ = 	snop  }
0x3b: {  	_ = 	snop  }
0x3c: {  	p2 =	seq.s32 s10, $0x1;
	s10 =	sld [smem:$0x3FB7]  }
0x3d: {  	_ =	shalt  }
0x3e: {  	_ =	shalt  }
0x3f: {  	_ =	shalt  }
0x40: {  	_ =	shalt  }
0x41: {  	_ =	shalt  }
0x42: {  	_ =	shalt  }
0x43: {  	_ =	shalt  }
0x44: {  	_ =	shalt  }
0x45: {  	_ =	shalt  }
0x46: {  	_ =	shalt  }
0x47: {  	_ =	shalt  }
0x48: {  	_ =	shalt  }
0x49: {  	_ =	shalt  }
0x4a: {  	_ =	shalt  }
0x4b: {  	_ =	shalt  }
0x4c: {  	_ =	shalt  }
0x4d: {  	_ =	shalt  }
0x4e: {  	_ =	shalt  }
0x4f: {  	_ =	shalt  }
0x50: {  	_ =	shalt  }
0x51: {  	_ =	shalt  }
0x52: {  	_ =	shalt  }
0x53: {  	_ =	shalt  }
0x54: {  	_ =	shalt  }
0x55: {  	_ =	shalt  }
0x56: {  	_ =	shalt  }
0x57: {  	_ =	shalt  }
0x58: {  	_ =	shalt  }
0x59: {  	_ =	shalt  }
0x5a: {  	_ =	shalt  }
0x5b: {  	_ =	shalt  }
0x5c: {  	_ =	shalt  }
0x5d: {  	_ =	shalt  }
0x5e: {  	_ =	shalt  }
0x5f: {  	_ =	shalt  }
0x60: {  	_ =	shalt  }
0x61: {  	_ =	shalt  }
0x62: {  	_ =	shalt  }
0x63: {  	_ =	shalt  }
0x64: {  	_ =	shalt  }
0x65: {  	_ =	shalt  }
0x66: {  	_ =	shalt  }
0x67: {  	_ =	shalt  }
0x68: {  	_ =	shalt  }
0x69: {  	_ =	shalt  }
0x6a: {  	_ =	shalt  }
0x6b: {  	_ =	shalt  }
0x6c: {  	_ =	shalt  }
0x6d: {  	_ =	shalt  }
0x6e: {  	_ =	shalt  }
0x6f: {  	_ =	shalt  }
0x70: {  	_ =	shalt  }
0x71: {  	_ =	shalt  }
0x72: {  	_ =	shalt  }
0x73: {  	_ =	shalt  }
0x74: {  	_ =	shalt  }
0x75: {  	_ =	shalt  }
0x76: {  	_ =	shalt  }
0x77: {  	_ =	shalt  }
0x78: {  	_ =	shalt  }
0x79: {  	_ =	shalt  }
0x7a: {  	_ =	shalt  }
0x7b: {  	_ =	shalt  }
0x7c: {  	_ =	shalt  }
0x7d: {  	_ =	shalt  }
0x7e: {  	_ =	shalt  }
0x7f: {  	_ =	shalt  }
0x80: {  	_ =	shalt  }
0x81: {  	_ =	shalt  }
0x82: {  	_ =	shalt  }
0x83: {  	_ =	shalt  }
0x84: {  	_ =	shalt  }
0x85: {  	_ =	shalt  }
0x86: {  	_ =	shalt  }
0x87: {  	_ =	shalt  }
.Lfunc_end0:
.L_simem_size_0:
called_computation_lowered:
.L_overlay_start_0:
0x88: {  	s2 =	sld [smem:$0x3FD9]  }
0x89: {  	s3 =	sld [smem:$0x3FFE];
	_ =	sdelay $0x1  }
0x8a: {  	s1 =	srdreg.scid  }
0x8b: {  	s0 =	sand.u32 $0x1, s1  }
0x8c: {  	s17 =	sshll.u32 s0, $0xA;
	s2 =	sadd.s32 s3, s2  }
0x8d: {  	s2 =	sadd.s32 s2, s17  }
0x8e: {  	[smem:$0x3FC3] =	sst s2  }
0x8f: {  	_ = 	snop  }
0x90: {  	s2 =	sld [smem:$0x3FC9]  }
0x91: {  	s18 =	sld [smem:$0x3FC8]  }
0x92: {  	s4 =	sld [smem:$0x3FC7]  }
0x93: {  	s5 =	sld [smem:$0x3FD0];
	(tm) =	ssettm $0x1  }
0x94: {  	s6 =	sld [smem:$0x3FFB];
	_ =	sdelay $0x3  }
0x95: {  	_ =	strace s6  }
0x96: {  	s6 =	sld [smem:$0x3FFC];
	_ =	sdelay $0x3  }
0x97: {  	_ =	strace s6  }
0x98: {  	s6 =	sld [smem:$0x3FFD];
	_ =	sdelay $0x3  }
0x99: {  	_ =	strace s6  }
0x9a: {  	_ =	strace $0x8FFFFFFF  }
0x9b: {  	s19 =	sld [smem:$0x3FDB];
	_ =	sdelay $0x1  }
0x9c: {  	s7 =	simm.s32 $_scs_section_size  }
0x9d: {  	s8 =	simm.s32 $_size__tile_overlayer_lowered;
	s9 =	simm.s32 $_tile_overlayer_lowered  }
0x9e: {  	s22 =	simm.s32 $0x1BFF;
	s21 =	sshll.u32 s9, $0x1;
	s6 =	sadd.s32 s7, s19  }
0x9f: {  	s10 =	simm.s32 $0x0;
	s20 =	sshll.u32 s8, $0x1;
	s8 =	sadd.s32 s21, s6  }
0xa0: {  	[timem:s10], [sflag:s22] =	dma.local [hbm:s8], s20  }
0xa1: {  	_ =	swait.ge [sflag:s22], s20  }
0xa2: {  	s7 =	ssub.s32 $0x0, s20;
	[sflag:s22] =	ssyncset.done $0x0  }
0xa3: {  	[sflag:s22] =	ssyncadd.s32 s7;
	_ =	sdelay $0x1  }
0xa4: {  	s23 =	simm.s32 $0x1B8B  }
0xa5: {  	_ =	swait.ge [sflag:s23], $0x1  }
0xa6: {  	[sflag:s23] =	ssyncset.done $0x0  }
0xa7: {  	s25 =	simm.s32 $0x1B8E;
	s24 =	sld [smem:$0x3FFE];
	[sflag:s23] =	ssyncadd.s32 $0xFFFFFFFF  }
0xa8: {  	s26 =	simm.s32 $execute0_lowered;
	[smem:$0x3FD2] =	sst s25  }
0xa9: {  	s8 =	sshll.u32 s26, $0x1;
	_ =	strace $0x80000046;
	[dreg:$0x1] =	wrdreg $0xFFFFFFFF  }
0xaa: {  	s28 =	simm.s32 $_size_execute0_lowered;
	s6 =	sadd.s32 s6, s8;
	[dreg:$0x0] =	wrdreg $0x0  }
0xab: {  	s8 =	sshll.u32 s28, $0x1;
	[dreg:$0x2] =	wrdreg s6  }
0xac: {  	[dreg:$0x3] =	wrdreg s8  }
0xad: {  	[dreg:$0x4] =	wrdreg $0xC0  }
0xae: {  	_ =	task [dreg:s10], $0x5FFFF  }
0xaf: {  	[dreg:$0x1] =	wrdreg $0xFFFFFFFF  }
0xb0: {  	[dreg:$0x0] =	wrdreg $0x60  }
0xb1: {  	[dreg:$0x2] =	wrdreg s2  }
0xb2: {  	[dreg:$0x3] =	wrdreg s18  }
0xb3: {  	[dreg:$0x4] =	wrdreg s4  }
0xb4: {  	[dreg:$0x5] =	wrdreg s24  }
0xb5: {  	[dreg:$0x6] =	wrdreg s5  }
0xb6: {  	[dreg:$0x7] =	wrdreg $0x9  }
0xb7: {  	_ =	task.clear_ibuf [dreg:s10], $0x8FFFF;
	_ =	strace $0x90000046  }
0xb8: {  	s29 =	simm.s32 $0x9;
	_ =	strace $0x80000048  }
0xb9: {  	_ =	swait.ge [sflag:s29], $0x1  }
0xba: {  	[sflag:s29] =	ssyncadd.s32 $0xFFFFFFFF  }
0xbb: {  	_ =	strace $0x90000048  }
0xbc: {  	_ =	sfence  }
0xbd: {  	s30 =	sld [smem:$0x0];
	_ =	sdelay $0x2  }
0xbe: {  	s31 =	sshll.u32 s1, $0xD;
	s1 =	sshrl.u32 s1, $0x2  }
0xbf: {  	s3 =	sand.u32 $0x4000, s31;
	s1 =	sadd.s32 s1, s30  }
0xc0: {  	s0 =	sor.u32 s3, s0;
	s1 =	sshll.u32 s1, $0x11  }
0xc1: {  	s0 =	sor.u32 s1, s0  }
0xc2: {  	s0 =	sadd.s32 $0x8F2B, s0  }
0xc3: {  	[sflag:s0] =	ssyncadd.remote.s32 $0x1  }
0xc4: {  	_ =	sfence.sel $0xFFFF  }
0xc5: {  	[dreg:$0x0] =	wrdreg $0xFFFFFFFF;
	(pc) =	sbr.abs _section_cstart, $3  }
0xc6: {  	[dreg:$0x1] =	wrdreg $0xFFFFFFFF  }
0xc7: {  	_ =	task.clear_ibuf [dreg:s10], $0x2FFFF;
	_ =	strace $0x9FFFFFFF  }
0xc8: {  	(tm) =	ssettm $0x7FFFFFFF  }
0xc9: {  	_ =	shalt  }
tec
execute0_lowered:
.L_overlay_start_1:
0x0: {  	(tag) =	ssettag $0x1  }
0x1: {  	s0 =	rddreg [dreg:$0x0]  }
0x2: {  	s1 =	rddreg [dreg:$0x1]  }
0x3: {  	s5 =	rddreg [dreg:$0x2]  }
0x4: {  	s4 =	rddreg [dreg:$0x3]  }
0x5: {  	s6 =	rddreg [dreg:$0x4];
	s2 =	simm.s32 $0x0  }
0x6: {  	s3 =	srdreg.scid;
	s7 =	stileid.u32;
	s28 =	simm.s32 $0x8B00  }
0x7: {  	s29 =	simm.s32 $0x8F00;
	s30 =	simm.s32 $0x1;
	s31 =	simm.s32 $0x9  }
0x8: {  	s11 =	simm.s32 $0x3;
	s12 =	simm.s32 $0xB;
	s13 =	simm.s32 $0x4  }
0x9: {  	s14 =	simm.s32 $0xC;
	s15 =	simm.s32 $0x5;
	s16 =	simm.s32 $0xD  }
0xa: {  	s17 =	simm.s32 $0x6;
	s18 =	simm.s32 $0xE;
	s19 =	simm.s32 $0x7  }
0xb: {  	s20 =	simm.s32 $0xF;
	s21 =	simm.s32 $0x8;
	s22 =	simm.s32 $0x10  }
0xc: {  	[smem:$0x7FF] =	sst s2;
	s3 =	sand.u32 $0x1, s3;
	s7 =	sshll.u32 s7, $0x1  }
0xd: {  	_ =	strace $0x80000047;
	s8 =	ssub.s32 $0x2, s3;
	s7 =	sor.u32 s3, s7  }
0xe: {  	s3 =	sadd.s32 $0x600, s4;
	s4 =	sadd.s32 $0x187200, s4;
	s10 =	sshll.u32 s7, $0x6  }
0xf: {  	s9 =	sshrl.u32 s8, $0x1;
	s25 =	sshll.u32 s7, $0xC;
	s0 =	sadd.s32 s0, s10  }
.Ltmp0:
0x10: {  	s23 =	sadd.s32 s5, s10;
	[dreg:$0x6] =	wrdreg s0;
	(pc) =	sbr.rel .LBB2_1-.Ltmp0, $4  }
0x11: {  	s9 =	ssub.s32 s8, s9;
	s24 =	sadd.s32 s1, s10;
	[dreg:$0x7] =	wrdreg s23  }
0x12: {  	s10 =	simm.s32 $0x11;
	[dreg:$0x8] =	wrdreg s24;
	s0 =	sadd.s32 s6, s25  }
0x13: {  	s1 =	simm.s32 $0xA;
	s26 =	smax.u32 s9, $0x1;
	[dreg:$0x9] =	wrdreg s0  }
0x14: {  	vm0 =	vmmov $0x1;
	s24 =	simm.s32 $0x0;
	[dreg:$0xa] =	wrdreg s26;
	s0 =	simm.s32 $0x2  }
.LBB2_4:
0x15: {  	s5 =	rddreg [dreg:$0x9];
	s6 =	simm.s32 $0x780  }
0x16: {  	[hbm4b:s5+s2] =	stream.linear.scatter [tilespmem:s6], [sflag:$0x11], $0x8000, $0x38;
	[tilespmem:$0x8F80] =	vst v63  }
0x17: {  	_ =	swait.ge [sflag:s10], $0x8000  }
0x18: {  	s24 =	sadd.s32 $0x1, s24;
	s26 =	rddreg [dreg:$0xa]  }
0x19: {  	p0 =	sne.s32 s24, s26  }
.Ltmp1:
0x1a: {  	_ = 	snop;
	(pc) =	sbr.rel @!p0 .LBB2_5-.Ltmp1, $3  }
0x1b: {  	_ =	sdelay $0x1  }
0x1c: {  	[sflag:s10] =	ssyncset.done $0x0  }
0x1d: {  	[sflag:s10] =	ssyncadd.s32 $0xFFFF8000  }
.LBB2_1:
0x1e: {  	s5 =	rddreg [dreg:$0x6]  }
0x1f: {  	[tilespmem:s2], [sflag:$0x11] =	stream.linear.gather [hbm4b:s5+s2], $0x200, $0x38;
	[tilespmem:$0x8F80] =	vst v63  }
0x20: {  	_ =	swait.ge [sflag:s10], $0x200  }
0x21: {  	[sflag:s10] =	ssyncset.done $0x0  }
0x22: {  	s6 =	simm.s32 $0x280;
	s23 =	rddreg [dreg:$0x7];
	[sflag:s10] =	ssyncadd.s32 $0xFFFFFE00  }
0x23: {  	[tilespmem:s6], [sflag:$0x11] =	stream.linear.gather [hbm4b:s23+s2], $0x200, $0x38;
	[tilespmem:$0x8F80] =	vst v63  }
0x24: {  	_ =	swait.ge [sflag:s10], $0x200  }
0x25: {  	[sflag:s10] =	ssyncset.done $0x0  }
0x26: {  	s26 =	simm.s32 $0x500;
	s25 =	rddreg [dreg:$0x8];
	[sflag:s10] =	ssyncadd.s32 $0xFFFFFE00  }
0x27: {  	[tilespmem:s26], [sflag:$0x11] =	stream.linear.gather [hbm4b:s25+s2], $0x200, $0x38;
	[tilespmem:$0x8F80] =	vst v63  }
0x28: {  	_ =	swait.ge [sflag:s10], $0x200  }
0x29: {  	[sflag:s10] =	ssyncset.done $0x0  }
0x2a: {  	[sflag:s10] =	ssyncadd.s32 $0xFFFFFE00  }
0x2b: {  	v0 =	vld [tilespmem:$0x0];
	_ =	sdelay $0x2  }
0x2c: {  	v49 =	vld [tilespmem:$0x280];
	_ =	sdelay $0x1  }
0x2d: {  	(v2sf) =	vpush v0, $0x0;
	_ =	sdelay $0x2  }
0x2e: {  	(v2sf) =	vpush v49, $0x0;
	_ =	sdelay $0xb  }
0x2f: {  	s7 =	spop (v2sf)  }
0x30: {  	s5 =	sshll.u32 s7, $0x4  }
0x31: {  	s5 =	sand.u32 $0x1FFFFFF0, s5  }
0x32: {  	s8 =	simm.s32 $0x8780;
	s9 =	spop (v2sf);
	s5 =	sadd.s32 s3, s5  }
0x33: {  	[tilespmem:s8], [sflag:$0x1] =	stream.linear.gather [hbm4b:s5+s2], $0x80, $0x38;
	[tilespmem:$0x8F80] =	vst v63  }
0x34: {  	s5 =	sshll.u32 s9, $0x4  }
0x35: {  	s5 =	sand.u32 $0x1FFFFFF0, s5  }
0x36: {  	s23 =	simm.s32 $0x8B80;
	s5 =	sadd.s32 s4, s5  }
0x37: {  	[tilespmem:s23], [sflag:$0x9] =	stream.linear.gather [hbm4b:s5+s2], $0x80, $0x38;
	[tilespmem:$0x8F80] =	vst v63  }
0x38: {  	v50 =	vld [tilespmem:$0x1];
	_ =	sdelay $0x2  }
0x39: {  	v51 =	vld [tilespmem:$0x281];
	_ =	sdelay $0x1  }
0x3a: {  	(v2sf) =	vpush v50, $0x0;
	_ =	sdelay $0x2  }
0x3b: {  	(v2sf) =	vpush v51, $0x0;
	_ =	sdelay $0xb  }
0x3c: {  	s25 =	spop (v2sf)  }
0x3d: {  	s5 =	sshll.u32 s25, $0x4  }
0x3e: {  	s5 =	sand.u32 $0x1FFFFFF0, s5  }
0x3f: {  	s26 =	simm.s32 $0x8800;
	s7 =	spop (v2sf);
	s5 =	sadd.s32 s3, s5  }
0x40: {  	[tilespmem:s26], [sflag:$0x2] =	stream.linear.gather [hbm4b:s5+s2], $0x80, $0x38;
	[tilespmem:$0x8F80] =	vst v63  }
0x41: {  	s5 =	sshll.u32 s7, $0x4  }
0x42: {  	s5 =	sand.u32 $0x1FFFFFF0, s5  }
0x43: {  	s8 =	simm.s32 $0x8C00;
	s5 =	sadd.s32 s4, s5  }
0x44: {  	[tilespmem:s8], [sflag:$0xA] =	stream.linear.gather [hbm4b:s5+s2], $0x80, $0x38;
	[tilespmem:$0x8F80] =	vst v63  }
0x45: {  	v52 =	vld [tilespmem:$0x2];
	_ =	sdelay $0x2  }
0x46: {  	v53 =	vld [tilespmem:$0x282];
	_ =	sdelay $0x1  }
0x47: {  	(v2sf) =	vpush v52, $0x0;
	_ =	sdelay $0x2  }
0x48: {  	(v2sf) =	vpush v53, $0x0;
	_ =	sdelay $0xb  }
0x49: {  	s9 =	spop (v2sf)  }
0x4a: {  	s5 =	sshll.u32 s9, $0x4  }
0x4b: {  	s5 =	sand.u32 $0x1FFFFFF0, s5  }
0x4c: {  	s23 =	simm.s32 $0x8880;
	s25 =	spop (v2sf);
	s5 =	sadd.s32 s3, s5  }
0x4d: {  	[tilespmem:s23], [sflag:$0x3] =	stream.linear.gather [hbm4b:s5+s2], $0x80, $0x38;
	[tilespmem:$0x8F80] =	vst v63  }
0x4e: {  	s5 =	sshll.u32 s25, $0x4  }
0x4f: {  	s5 =	sand.u32 $0x1FFFFFF0, s5  }
0x50: {  	s26 =	simm.s32 $0x8C80;
	s5 =	sadd.s32 s4, s5  }
0x51: {  	[tilespmem:s26], [sflag:$0xB] =	stream.linear.gather [hbm4b:s5+s2], $0x80, $0x38;
	[tilespmem:$0x8F80] =	vst v63  }
0x52: {  	v54 =	vld [tilespmem:$0x3];
	_ =	sdelay $0x2  }
0x53: {  	v55 =	vld [tilespmem:$0x283];
	_ =	sdelay $0x1  }
0x54: {  	(v2sf) =	vpush v54, $0x0;
	_ =	sdelay $0x2  }
0x55: {  	(v2sf) =	vpush v55, $0x0;
	_ =	sdelay $0xb  }
0x56: {  	s7 =	spop (v2sf)  }
0x57: {  	s5 =	sshll.u32 s7, $0x4  }
0x58: {  	s5 =	sand.u32 $0x1FFFFFF0, s5  }
0x59: {  	s8 =	simm.s32 $0x8900;
	s9 =	spop (v2sf);
	s5 =	sadd.s32 s3, s5  }
0x5a: {  	[tilespmem:s8], [sflag:$0x4] =	stream.linear.gather [hbm4b:s5+s2], $0x80, $0x38;
	[tilespmem:$0x8F80] =	vst v63  }
0x5b: {  	s5 =	sshll.u32 s9, $0x4  }
0x5c: {  	s5 =	sand.u32 $0x1FFFFFF0, s5  }
0x5d: {  	s23 =	simm.s32 $0x8D00;
	s5 =	sadd.s32 s4, s5  }
0x5e: {  	[tilespmem:s23], [sflag:$0xC] =	stream.linear.gather [hbm4b:s5+s2], $0x80, $0x38;
	[tilespmem:$0x8F80] =	vst v63  }
0x5f: {  	v56 =	vld [tilespmem:$0x4];
	_ =	sdelay $0x2  }
0x60: {  	v57 =	vld [tilespmem:$0x284];
	_ =	sdelay $0x1  }
0x61: {  	(v2sf) =	vpush v56, $0x0;
	_ =	sdelay $0x2  }
0x62: {  	(v2sf) =	vpush v57, $0x0;
	_ =	sdelay $0xb  }
0x63: {  	s25 =	spop (v2sf)  }
0x64: {  	s5 =	sshll.u32 s25, $0x4  }
0x65: {  	s5 =	sand.u32 $0x1FFFFFF0, s5  }
0x66: {  	s26 =	simm.s32 $0x8980;
	s7 =	spop (v2sf);
	s5 =	sadd.s32 s3, s5  }
0x67: {  	[tilespmem:s26], [sflag:$0x5] =	stream.linear.gather [hbm4b:s5+s2], $0x80, $0x38;
	[tilespmem:$0x8F80] =	vst v63  }
0x68: {  	s5 =	sshll.u32 s7, $0x4  }
0x69: {  	s5 =	sand.u32 $0x1FFFFFF0, s5  }
0x6a: {  	s8 =	simm.s32 $0x8D80;
	s5 =	sadd.s32 s4, s5  }
0x6b: {  	[tilespmem:s8], [sflag:$0xD] =	stream.linear.gather [hbm4b:s5+s2], $0x80, $0x38;
	[tilespmem:$0x8F80] =	vst v63  }
0x6c: {  	v58 =	vld [tilespmem:$0x5];
	_ =	sdelay $0x2  }
0x6d: {  	v59 =	vld [tilespmem:$0x285];
	_ =	sdelay $0x1  }
0x6e: {  	(v2sf) =	vpush v58, $0x0;
	_ =	sdelay $0x2  }
0x6f: {  	(v2sf) =	vpush v59, $0x0;
	_ =	sdelay $0xb  }
0x70: {  	s9 =	spop (v2sf)  }
0x71: {  	s5 =	sshll.u32 s9, $0x4  }
0x72: {  	s5 =	sand.u32 $0x1FFFFFF0, s5  }
0x73: {  	s23 =	simm.s32 $0x8A00;
	s25 =	spop (v2sf);
	s5 =	sadd.s32 s3, s5  }
0x74: {  	[tilespmem:s23], [sflag:$0x6] =	stream.linear.gather [hbm4b:s5+s2], $0x80, $0x38;
	[tilespmem:$0x8F80] =	vst v63  }
0x75: {  	s5 =	sshll.u32 s25, $0x4  }
0x76: {  	s5 =	sand.u32 $0x1FFFFFF0, s5  }
0x77: {  	s26 =	simm.s32 $0x8E00;
	s5 =	sadd.s32 s4, s5  }
0x78: {  	[tilespmem:s26], [sflag:$0xE] =	stream.linear.gather [hbm4b:s5+s2], $0x80, $0x38;
	[tilespmem:$0x8F80] =	vst v63  }
0x79: {  	v60 =	vld [tilespmem:$0x6];
	_ =	sdelay $0x2  }
0x7a: {  	v61 =	vld [tilespmem:$0x286];
	_ =	sdelay $0x1  }
0x7b: {  	(v2sf) =	vpush v60, $0x0;
	_ =	sdelay $0x2  }
0x7c: {  	(v2sf) =	vpush v61, $0x0;
	_ =	sdelay $0xb  }
0x7d: {  	s7 =	spop (v2sf)  }
0x7e: {  	s5 =	sshll.u32 s7, $0x4  }
0x7f: {  	s5 =	sand.u32 $0x1FFFFFF0, s5  }
0x80: {  	s8 =	simm.s32 $0x8A80;
	s9 =	spop (v2sf);
	s5 =	sadd.s32 s3, s5  }
0x81: {  	[tilespmem:s8], [sflag:$0x7] =	stream.linear.gather [hbm4b:s5+s2], $0x80, $0x38;
	[tilespmem:$0x8F80] =	vst v63  }
0x82: {  	s5 =	sshll.u32 s9, $0x4  }
0x83: {  	s5 =	sand.u32 $0x1FFFFFF0, s5  }
0x84: {  	s23 =	simm.s32 $0x8E80;
	s5 =	sadd.s32 s4, s5  }
0x85: {  	[tilespmem:s23], [sflag:$0xF] =	stream.linear.gather [hbm4b:s5+s2], $0x80, $0x38;
	[tilespmem:$0x8F80] =	vst v63  }
0x86: {  	v62 =	vld [tilespmem:$0x7];
	_ =	sdelay $0x2  }
0x87: {  	v63 =	vld [tilespmem:$0x287];
	_ =	sdelay $0x1  }
0x88: {  	(v2sf) =	vpush v62, $0x0;
	_ =	sdelay $0x2  }
0x89: {  	(v2sf) =	vpush v63, $0x0;
	_ =	sdelay $0xb  }
0x8a: {  	s25 =	spop (v2sf)  }
0x8b: {  	s5 =	sshll.u32 s25, $0x4  }
0x8c: {  	s5 =	sand.u32 $0x1FFFFFF0, s5  }
0x8d: {  	s26 =	spop (v2sf);
	s5 =	sadd.s32 s3, s5  }
0x8e: {  	[tilespmem:s28], [sflag:$0x8] =	stream.linear.gather [hbm4b:s5+s2], $0x80, $0x38;
	[tilespmem:$0x8F80] =	vst v63  }
0x8f: {  	s5 =	sshll.u32 s26, $0x4  }
0x90: {  	s5 =	sand.u32 $0x1FFFFFF0, s5  }
0x91: {  	s6 =	simm.s32 $0xF;
	s23 =	simm.s32 $0x504;
	s5 =	sadd.s32 s4, s5  }
0x92: {  	[tilespmem:s29], [sflag:$0x10] =	stream.linear.gather [hbm4b:s5+s2], $0x80, $0x38;
	[tilespmem:$0x8F80] =	vst v63  }
0x93: {  	s25 =	simm.s32 $0x140;
	s26 =	simm.s32 $0x28F;
	s5 =	simm.s32 $0x880  }
.LBB2_2:
0x94: {  	_ =	swait.ge [sflag:s30], $0x80  }
0x95: {  	[sflag:s30] =	ssyncset.done $0x0  }
0x96: {  	[sflag:s30] =	ssyncadd.s32 $0xFFFFFF80  }
0x97: {  	_ =	swait.ge [sflag:s31], $0x80  }
0x98: {  	[sflag:s31] =	ssyncset.done $0x0  }
0x99: {  	[sflag:s31] =	ssyncadd.s32 $0xFFFFFF80  }
0x9a: {  	v0 =	vld [tilespmem:$0x8780];
	_ =	sdelay $0x4  }
0x9b: {  	[tilespmem:s5+$0xFFFFFF00] =	vst v0  }
0x9c: {  	v0 =	vld [tilespmem:$0x8790];
	_ =	sdelay $0x4  }
0x9d: {  	[tilespmem:s5+$0xFFFFFF10] =	vst v0  }
0x9e: {  	v0 =	vld [tilespmem:$0x8B80];
	_ =	sdelay $0x4  }
0x9f: {  	[tilespmem:s5+$0xFFFFFF21] =	vst v0  }
0xa0: {  	v0 =	vld [tilespmem:$0x8B8F];
	_ =	sdelay $0x4  }
0xa1: {  	v1 =	vld [tilespmem:s5+$0xFFFFFF20];
	[tilespmem:s5+$0xFFFFFF30] =	vst v0  }
0xa2: {  	v0 =	vld [tilespmem:s23+$0xFFFFFFFC];
	_ =	sdelay $0x4  }
0xa3: {  	v0 =	vsel vm0, v0, v1  }
0xa4: {  	p0 =	seq.s32 s25, $0x7F40;
	[tilespmem:s5+$0xFFFFFF20] =	vst v0  }
0xa5: {  	v0 =	vld @!p0 [tilespmem:s6+$0xFFFFFFF9];
	_ =	sdelay $0x4  }
0xa6: {  	(v2sf) =	vpush @!p0 v0, $0x0;
	v0 =	vld @!p0 [tilespmem:s26+$0xFFFFFFF9];
	_ =	sdelay $0x4  }
0xa7: {  	(v2sf) =	vpush @!p0 v0, $0x0;
	_ =	sdelay $0x9  }
0xa8: {  	s7 =	spop @!p0 (v2sf)  }
0xa9: {  	s7 =	sshll.u32 @!p0 s7, $0x4  }
0xaa: {  	s7 =	sand.u32 @!p0 $0x1FFFFFF0, s7  }
0xab: {  	s9 =	simm.s32 @!p0 $0x8780;
	s8 =	sadd.s32 @!p0 s3, s7;
	s7 =	simm.s32 @!p0 $0x0  }
0xac: {  	[tilespmem:s9], [sflag:$0x1] =	stream.linear.gather @!p0 [hbm4b:s8+s7], $0x80, $0x38;
	[tilespmem:$0x8F80] =	vst v63  }
0xad: {  	s8 =	spop @!p0 (v2sf)  }
0xae: {  	s8 =	sshll.u32 @!p0 s8, $0x4  }
0xaf: {  	s8 =	sand.u32 @!p0 $0x1FFFFFF0, s8  }
0xb0: {  	s9 =	simm.s32 @!p0 $0x8B80;
	s8 =	sadd.s32 @!p0 s4, s8  }
0xb1: {  	[tilespmem:s9], [sflag:$0x9] =	stream.linear.gather @!p0 [hbm4b:s8+s7], $0x80, $0x38;
	[tilespmem:$0x8F80] =	vst v63  }
0xb2: {  	_ =	swait.ge [sflag:s0], $0x80  }
0xb3: {  	[sflag:s0] =	ssyncset.done $0x0  }
0xb4: {  	[sflag:s0] =	ssyncadd.s32 $0xFFFFFF80  }
0xb5: {  	_ =	swait.ge [sflag:s1], $0x80  }
0xb6: {  	[sflag:s1] =	ssyncset.done $0x0  }
0xb7: {  	[sflag:s1] =	ssyncadd.s32 $0xFFFFFF80  }
0xb8: {  	v50 =	vld [tilespmem:$0x8800];
	_ =	sdelay $0x4  }
0xb9: {  	[tilespmem:s5+$0xFFFFFF40] =	vst v50  }
0xba: {  	v0 =	vld [tilespmem:$0x8810];
	_ =	sdelay $0x2  }
0xbb: {  	s8 =	sadd.s32 $0xFFFFFF00, s25  }
0xbc: {  	s9 =	sor.u32 $0x50, s8  }
0xbd: {  	[tilespmem:s9+$0x780] =	vst v0  }
0xbe: {  	v0 =	vld [tilespmem:$0x8C00];
	_ =	sdelay $0x3  }
0xbf: {  	s9 =	sor.u32 $0x61, s8  }
0xc0: {  	[tilespmem:s9+$0x780] =	vst v0  }
0xc1: {  	v0 =	vld [tilespmem:$0x8C0F];
	_ =	sdelay $0x3  }
0xc2: {  	s9 =	sor.u32 $0x70, s8  }
0xc3: {  	[tilespmem:s9+$0x780] =	vst v0  }
0xc4: {  	s8 =	sor.u32 $0x60, s8;
	v0 =	vld [tilespmem:s23+$0xFFFFFFFD]  }
0xc5: {  	v51 =	vld [tilespmem:s8+$0x780];
	_ =	sdelay $0x4  }
0xc6: {  	v0 =	vsel vm0, v0, v51  }
0xc7: {  	[tilespmem:s8+$0x780] =	vst v0  }
0xc8: {  	v0 =	vld @!p0 [tilespmem:s6+$0xFFFFFFFA];
	_ =	sdelay $0x4  }
0xc9: {  	(v2sf) =	vpush @!p0 v0, $0x0;
	v0 =	vld @!p0 [tilespmem:s26+$0xFFFFFFFA];
	_ =	sdelay $0x4  }
0xca: {  	(v2sf) =	vpush @!p0 v0, $0x0;
	_ =	sdelay $0x9  }
0xcb: {  	s8 =	spop @!p0 (v2sf)  }
0xcc: {  	s8 =	sshll.u32 @!p0 s8, $0x4  }
0xcd: {  	s8 =	sand.u32 @!p0 $0x1FFFFFF0, s8  }
0xce: {  	s9 =	simm.s32 @!p0 $0x8800;
	s8 =	sadd.s32 @!p0 s3, s8  }
0xcf: {  	[tilespmem:s9], [sflag:$0x2] =	stream.linear.gather @!p0 [hbm4b:s8+s7], $0x80, $0x38;
	[tilespmem:$0x8F80] =	vst v63  }
0xd0: {  	s8 =	spop @!p0 (v2sf)  }
0xd1: {  	s8 =	sshll.u32 @!p0 s8, $0x4  }
0xd2: {  	s8 =	sand.u32 @!p0 $0x1FFFFFF0, s8  }
0xd3: {  	s9 =	simm.s32 @!p0 $0x8C00;
	s8 =	sadd.s32 @!p0 s4, s8  }
0xd4: {  	[tilespmem:s9], [sflag:$0xA] =	stream.linear.gather @!p0 [hbm4b:s8+s7], $0x80, $0x38;
	[tilespmem:$0x8F80] =	vst v63  }
0xd5: {  	_ =	swait.ge [sflag:s11], $0x80  }
0xd6: {  	[sflag:s11] =	ssyncset.done $0x0  }
0xd7: {  	[sflag:s11] =	ssyncadd.s32 $0xFFFFFF80  }
0xd8: {  	_ =	swait.ge [sflag:s12], $0x80  }
0xd9: {  	[sflag:s12] =	ssyncset.done $0x0  }
0xda: {  	[sflag:s12] =	ssyncadd.s32 $0xFFFFFF80  }
0xdb: {  	v52 =	vld [tilespmem:$0x8880];
	_ =	sdelay $0x4  }
0xdc: {  	[tilespmem:s5+$0xFFFFFF80] =	vst v52  }
0xdd: {  	v0 =	vld [tilespmem:$0x8890];
	_ =	sdelay $0x4  }
0xde: {  	[tilespmem:s5+$0xFFFFFF90] =	vst v0  }
0xdf: {  	v0 =	vld [tilespmem:$0x8C80];
	_ =	sdelay $0x4  }
0xe0: {  	[tilespmem:s5+$0xFFFFFFA1] =	vst v0  }
0xe1: {  	v0 =	vld [tilespmem:$0x8C8F];
	_ =	sdelay $0x4  }
0xe2: {  	v53 =	vld [tilespmem:s5+$0xFFFFFFA0];
	[tilespmem:s5+$0xFFFFFFB0] =	vst v0  }
0xe3: {  	v0 =	vld [tilespmem:s23+$0xFFFFFFFE];
	_ =	sdelay $0x4  }
0xe4: {  	v0 =	vsel vm0, v0, v53  }
0xe5: {  	[tilespmem:s5+$0xFFFFFFA0] =	vst v0  }
0xe6: {  	v0 =	vld @!p0 [tilespmem:s6+$0xFFFFFFFB];
	_ =	sdelay $0x4  }
0xe7: {  	(v2sf) =	vpush @!p0 v0, $0x0;
	v0 =	vld @!p0 [tilespmem:s26+$0xFFFFFFFB];
	_ =	sdelay $0x4  }
0xe8: {  	(v2sf) =	vpush @!p0 v0, $0x0;
	_ =	sdelay $0x9  }
0xe9: {  	s8 =	spop @!p0 (v2sf)  }
0xea: {  	s8 =	sshll.u32 @!p0 s8, $0x4  }
0xeb: {  	s8 =	sand.u32 @!p0 $0x1FFFFFF0, s8  }
0xec: {  	s9 =	simm.s32 @!p0 $0x8880;
	s8 =	sadd.s32 @!p0 s3, s8  }
0xed: {  	[tilespmem:s9], [sflag:$0x3] =	stream.linear.gather @!p0 [hbm4b:s8+s7], $0x80, $0x38;
	[tilespmem:$0x8F80] =	vst v63  }
0xee: {  	s8 =	spop @!p0 (v2sf)  }
0xef: {  	s8 =	sshll.u32 @!p0 s8, $0x4  }
0xf0: {  	s8 =	sand.u32 @!p0 $0x1FFFFFF0, s8  }
0xf1: {  	s9 =	simm.s32 @!p0 $0x8C80;
	s8 =	sadd.s32 @!p0 s4, s8  }
0xf2: {  	[tilespmem:s9], [sflag:$0xB] =	stream.linear.gather @!p0 [hbm4b:s8+s7], $0x80, $0x38;
	[tilespmem:$0x8F80] =	vst v63  }
0xf3: {  	_ =	swait.ge [sflag:s13], $0x80  }
0xf4: {  	[sflag:s13] =	ssyncset.done $0x0  }
0xf5: {  	[sflag:s13] =	ssyncadd.s32 $0xFFFFFF80  }
0xf6: {  	_ =	swait.ge [sflag:s14], $0x80  }
0xf7: {  	[sflag:s14] =	ssyncset.done $0x0  }
0xf8: {  	[sflag:s14] =	ssyncadd.s32 $0xFFFFFF80  }
0xf9: {  	v54 =	vld [tilespmem:$0x8900];
	_ =	sdelay $0x4  }
0xfa: {  	[tilespmem:s5+$0xFFFFFFC0] =	vst v54  }
0xfb: {  	v0 =	vld [tilespmem:$0x8910];
	_ =	sdelay $0x2  }
0xfc: {  	s8 =	sadd.s32 $0xFFFFFF80, s25  }
0xfd: {  	s9 =	sor.u32 $0x50, s8  }
0xfe: {  	[tilespmem:s9+$0x780] =	vst v0  }
0xff: {  	v0 =	vld [tilespmem:$0x8D00];
	_ =	sdelay $0x3  }
0x100: {  	s9 =	sor.u32 $0x61, s8  }
0x101: {  	[tilespmem:s9+$0x780] =	vst v0  }
0x102: {  	v0 =	vld [tilespmem:$0x8D0F];
	_ =	sdelay $0x3  }
0x103: {  	s9 =	sor.u32 $0x70, s8  }
0x104: {  	[tilespmem:s9+$0x780] =	vst v0  }
0x105: {  	s8 =	sor.u32 $0x60, s8;
	v0 =	vld [tilespmem:s23+$0xFFFFFFFF]  }
0x106: {  	v55 =	vld [tilespmem:s8+$0x780];
	_ =	sdelay $0x4  }
0x107: {  	v0 =	vsel vm0, v0, v55  }
0x108: {  	[tilespmem:s8+$0x780] =	vst v0  }
0x109: {  	v0 =	vld @!p0 [tilespmem:s6+$0xFFFFFFFC];
	_ =	sdelay $0x4  }
0x10a: {  	(v2sf) =	vpush @!p0 v0, $0x0;
	v0 =	vld @!p0 [tilespmem:s26+$0xFFFFFFFC];
	_ =	sdelay $0x4  }
0x10b: {  	(v2sf) =	vpush @!p0 v0, $0x0;
	_ =	sdelay $0x9  }
0x10c: {  	s8 =	spop @!p0 (v2sf)  }
0x10d: {  	s8 =	sshll.u32 @!p0 s8, $0x4  }
0x10e: {  	s8 =	sand.u32 @!p0 $0x1FFFFFF0, s8  }
0x10f: {  	s9 =	simm.s32 @!p0 $0x8900;
	s8 =	sadd.s32 @!p0 s3, s8  }
0x110: {  	[tilespmem:s9], [sflag:$0x4] =	stream.linear.gather @!p0 [hbm4b:s8+s7], $0x80, $0x38;
	[tilespmem:$0x8F80] =	vst v63  }
0x111: {  	s8 =	spop @!p0 (v2sf)  }
0x112: {  	s8 =	sshll.u32 @!p0 s8, $0x4  }
0x113: {  	s8 =	sand.u32 @!p0 $0x1FFFFFF0, s8  }
0x114: {  	s9 =	simm.s32 @!p0 $0x8D00;
	s8 =	sadd.s32 @!p0 s4, s8  }
0x115: {  	[tilespmem:s9], [sflag:$0xC] =	stream.linear.gather @!p0 [hbm4b:s8+s7], $0x80, $0x38;
	[tilespmem:$0x8F80] =	vst v63  }
0x116: {  	_ =	swait.ge [sflag:s15], $0x80  }
0x117: {  	[sflag:s15] =	ssyncset.done $0x0  }
0x118: {  	[sflag:s15] =	ssyncadd.s32 $0xFFFFFF80  }
0x119: {  	_ =	swait.ge [sflag:s16], $0x80  }
0x11a: {  	[sflag:s16] =	ssyncset.done $0x0  }
0x11b: {  	[sflag:s16] =	ssyncadd.s32 $0xFFFFFF80  }
0x11c: {  	v56 =	vld [tilespmem:$0x8980];
	_ =	sdelay $0x4  }
0x11d: {  	[tilespmem:s5+$0x0] =	vst v56  }
0x11e: {  	v0 =	vld [tilespmem:$0x8990];
	_ =	sdelay $0x4  }
0x11f: {  	[tilespmem:s5+$0x10] =	vst v0  }
0x120: {  	v0 =	vld [tilespmem:$0x8D80];
	_ =	sdelay $0x4  }
0x121: {  	[tilespmem:s5+$0x21] =	vst v0  }
0x122: {  	v0 =	vld [tilespmem:$0x8D8F];
	_ =	sdelay $0x4  }
0x123: {  	v57 =	vld [tilespmem:s5+$0x20];
	[tilespmem:s5+$0x30] =	vst v0  }
0x124: {  	v0 =	vld [tilespmem:s23+$0x0];
	_ =	sdelay $0x4  }
0x125: {  	v0 =	vsel vm0, v0, v57  }
0x126: {  	[tilespmem:s5+$0x20] =	vst v0  }
0x127: {  	v0 =	vld @!p0 [tilespmem:s6+$0xFFFFFFFD];
	_ =	sdelay $0x4  }
0x128: {  	(v2sf) =	vpush @!p0 v0, $0x0;
	v0 =	vld @!p0 [tilespmem:s26+$0xFFFFFFFD];
	_ =	sdelay $0x4  }
0x129: {  	(v2sf) =	vpush @!p0 v0, $0x0;
	_ =	sdelay $0x9  }
0x12a: {  	s8 =	spop @!p0 (v2sf)  }
0x12b: {  	s8 =	sshll.u32 @!p0 s8, $0x4  }
0x12c: {  	s8 =	sand.u32 @!p0 $0x1FFFFFF0, s8  }
0x12d: {  	s9 =	simm.s32 @!p0 $0x8980;
	s8 =	sadd.s32 @!p0 s3, s8  }
0x12e: {  	[tilespmem:s9], [sflag:$0x5] =	stream.linear.gather @!p0 [hbm4b:s8+s7], $0x80, $0x38;
	[tilespmem:$0x8F80] =	vst v63  }
0x12f: {  	s8 =	spop @!p0 (v2sf)  }
0x130: {  	s8 =	sshll.u32 @!p0 s8, $0x4  }
0x131: {  	s8 =	sand.u32 @!p0 $0x1FFFFFF0, s8  }
0x132: {  	s9 =	simm.s32 @!p0 $0x8D80;
	s8 =	sadd.s32 @!p0 s4, s8  }
0x133: {  	[tilespmem:s9], [sflag:$0xD] =	stream.linear.gather @!p0 [hbm4b:s8+s7], $0x80, $0x38;
	[tilespmem:$0x8F80] =	vst v63  }
0x134: {  	_ =	swait.ge [sflag:s17], $0x80  }
0x135: {  	[sflag:s17] =	ssyncset.done $0x0  }
0x136: {  	[sflag:s17] =	ssyncadd.s32 $0xFFFFFF80  }
0x137: {  	_ =	swait.ge [sflag:s18], $0x80  }
0x138: {  	[sflag:s18] =	ssyncset.done $0x0  }
0x139: {  	[sflag:s18] =	ssyncadd.s32 $0xFFFFFF80  }
0x13a: {  	v58 =	vld [tilespmem:$0x8A00];
	_ =	sdelay $0x4  }
0x13b: {  	[tilespmem:s5+$0x40] =	vst v58  }
0x13c: {  	v0 =	vld [tilespmem:$0x8A10];
	_ =	sdelay $0x3  }
0x13d: {  	s9 =	sor.u32 $0x50, s25  }
0x13e: {  	[tilespmem:s9+$0x780] =	vst v0  }
0x13f: {  	v0 =	vld [tilespmem:$0x8E00];
	_ =	sdelay $0x3  }
0x140: {  	s9 =	sor.u32 $0x61, s25  }
0x141: {  	[tilespmem:s9+$0x780] =	vst v0  }
0x142: {  	v0 =	vld [tilespmem:$0x8E0F];
	_ =	sdelay $0x3  }
0x143: {  	s9 =	sor.u32 $0x70, s25  }
0x144: {  	[tilespmem:s9+$0x780] =	vst v0  }
0x145: {  	s9 =	sor.u32 $0x60, s25;
	v0 =	vld [tilespmem:s23+$0x1]  }
0x146: {  	v59 =	vld [tilespmem:s9+$0x780];
	_ =	sdelay $0x4  }
0x147: {  	v0 =	vsel vm0, v0, v59  }
0x148: {  	[tilespmem:s9+$0x780] =	vst v0  }
0x149: {  	v0 =	vld @!p0 [tilespmem:s6+$0xFFFFFFFE];
	_ =	sdelay $0x4  }
0x14a: {  	(v2sf) =	vpush @!p0 v0, $0x0;
	v0 =	vld @!p0 [tilespmem:s26+$0xFFFFFFFE];
	_ =	sdelay $0x4  }
0x14b: {  	(v2sf) =	vpush @!p0 v0, $0x0;
	_ =	sdelay $0x9  }
0x14c: {  	s8 =	spop @!p0 (v2sf)  }
0x14d: {  	s8 =	sshll.u32 @!p0 s8, $0x4  }
0x14e: {  	s8 =	sand.u32 @!p0 $0x1FFFFFF0, s8  }
0x14f: {  	s9 =	simm.s32 @!p0 $0x8A00;
	s8 =	sadd.s32 @!p0 s3, s8  }
0x150: {  	[tilespmem:s9], [sflag:$0x6] =	stream.linear.gather @!p0 [hbm4b:s8+s7], $0x80, $0x38;
	[tilespmem:$0x8F80] =	vst v63  }
0x151: {  	s8 =	spop @!p0 (v2sf)  }
0x152: {  	s8 =	sshll.u32 @!p0 s8, $0x4  }
0x153: {  	s8 =	sand.u32 @!p0 $0x1FFFFFF0, s8  }
0x154: {  	s9 =	simm.s32 @!p0 $0x8E00;
	s8 =	sadd.s32 @!p0 s4, s8  }
0x155: {  	[tilespmem:s9], [sflag:$0xE] =	stream.linear.gather @!p0 [hbm4b:s8+s7], $0x80, $0x38;
	[tilespmem:$0x8F80] =	vst v63  }
0x156: {  	_ =	swait.ge [sflag:s19], $0x80  }
0x157: {  	[sflag:s19] =	ssyncset.done $0x0  }
0x158: {  	[sflag:s19] =	ssyncadd.s32 $0xFFFFFF80  }
0x159: {  	_ =	swait.ge [sflag:s20], $0x80  }
0x15a: {  	[sflag:s20] =	ssyncset.done $0x0  }
0x15b: {  	[sflag:s20] =	ssyncadd.s32 $0xFFFFFF80  }
0x15c: {  	v60 =	vld [tilespmem:$0x8A80];
	_ =	sdelay $0x4  }
0x15d: {  	[tilespmem:s5+$0x80] =	vst v60  }
0x15e: {  	v0 =	vld [tilespmem:$0x8A90];
	_ =	sdelay $0x4  }
0x15f: {  	[tilespmem:s5+$0x90] =	vst v0  }
0x160: {  	v0 =	vld [tilespmem:$0x8E80];
	_ =	sdelay $0x4  }
0x161: {  	[tilespmem:s5+$0xA1] =	vst v0  }
0x162: {  	v0 =	vld [tilespmem:$0x8E8F];
	_ =	sdelay $0x4  }
0x163: {  	v61 =	vld [tilespmem:s5+$0xA0];
	[tilespmem:s5+$0xB0] =	vst v0  }
0x164: {  	v0 =	vld [tilespmem:s23+$0x2];
	_ =	sdelay $0x4  }
0x165: {  	v0 =	vsel vm0, v0, v61  }
0x166: {  	[tilespmem:s5+$0xA0] =	vst v0  }
0x167: {  	v0 =	vld @!p0 [tilespmem:s6+$0xFFFFFFFF];
	_ =	sdelay $0x4  }
0x168: {  	(v2sf) =	vpush @!p0 v0, $0x0;
	v0 =	vld @!p0 [tilespmem:s26+$0xFFFFFFFF];
	_ =	sdelay $0x4  }
0x169: {  	(v2sf) =	vpush @!p0 v0, $0x0;
	_ =	sdelay $0x9  }
0x16a: {  	s8 =	spop @!p0 (v2sf)  }
0x16b: {  	s8 =	sshll.u32 @!p0 s8, $0x4  }
0x16c: {  	s8 =	sand.u32 @!p0 $0x1FFFFFF0, s8  }
0x16d: {  	s9 =	simm.s32 @!p0 $0x8A80;
	s8 =	sadd.s32 @!p0 s3, s8  }
0x16e: {  	[tilespmem:s9], [sflag:$0x7] =	stream.linear.gather @!p0 [hbm4b:s8+s7], $0x80, $0x38;
	[tilespmem:$0x8F80] =	vst v63  }
0x16f: {  	s8 =	spop @!p0 (v2sf)  }
0x170: {  	s8 =	sshll.u32 @!p0 s8, $0x4  }
0x171: {  	s8 =	sand.u32 @!p0 $0x1FFFFFF0, s8  }
0x172: {  	s9 =	simm.s32 @!p0 $0x8E80;
	s8 =	sadd.s32 @!p0 s4, s8  }
0x173: {  	[tilespmem:s9], [sflag:$0xF] =	stream.linear.gather @!p0 [hbm4b:s8+s7], $0x80, $0x38;
	[tilespmem:$0x8F80] =	vst v63  }
0x174: {  	_ =	swait.ge [sflag:s21], $0x80  }
0x175: {  	[sflag:s21] =	ssyncset.done $0x0  }
0x176: {  	[sflag:s21] =	ssyncadd.s32 $0xFFFFFF80  }
0x177: {  	_ =	swait.ge [sflag:s22], $0x80  }
0x178: {  	[sflag:s22] =	ssyncset.done $0x0  }
0x179: {  	[sflag:s22] =	ssyncadd.s32 $0xFFFFFF80  }
0x17a: {  	v62 =	vld [tilespmem:$0x8B00];
	_ =	sdelay $0x4  }
0x17b: {  	[tilespmem:s5+$0xC0] =	vst v62  }
0x17c: {  	v0 =	vld [tilespmem:$0x8B10];
	_ =	sdelay $0x4  }
0x17d: {  	[tilespmem:s5+$0xD0] =	vst v0  }
0x17e: {  	v0 =	vld [tilespmem:$0x8F00];
	_ =	sdelay $0x4  }
0x17f: {  	[tilespmem:s5+$0xE1] =	vst v0  }
0x180: {  	v0 =	vld [tilespmem:$0x8F0F];
	_ =	sdelay $0x4  }
0x181: {  	v63 =	vld [tilespmem:s5+$0xE0];
	[tilespmem:s5+$0xF0] =	vst v0  }
0x182: {  	v0 =	vld [tilespmem:s23+$0x3];
	_ =	sdelay $0x1  }
.Ltmp2:
0x183: {  	_ = 	snop;
	(pc) =	sbr.rel @p0 .LBB2_4-.Ltmp2, $3  }
0x184: {  	_ =	sdelay $0x1  }
0x185: {  	v0 =	vsel vm0, v0, v63  }
0x186: {  	[tilespmem:s5+$0xE0] =	vst v0  }
0x187: {  	v0 =	vld [tilespmem:s6+$0x0];
	_ =	sdelay $0x4  }
0x188: {  	v63 =	vld [tilespmem:s26+$0x0];
	(v2sf) =	vpush v0, $0x0;
	_ =	sdelay $0x4  }
0x189: {  	(v2sf) =	vpush v63, $0x0;
	_ =	sdelay $0x9  }
0x18a: {  	s7 =	spop (v2sf)  }
0x18b: {  	s7 =	sshll.u32 s7, $0x4  }
0x18c: {  	s7 =	sand.u32 $0x1FFFFFF0, s7  }
0x18d: {  	s7 =	sadd.s32 s3, s7  }
0x18e: {  	[tilespmem:s28], [sflag:$0x8] =	stream.linear.gather [hbm4b:s7+s2], $0x80, $0x38;
	[tilespmem:$0x8F80] =	vst v63  }
.Ltmp3:
0x18f: {  	s9 =	spop (v2sf);
	(pc) =	sbr.rel .LBB2_2-.Ltmp3, $4  }
0x190: {  	s25 =	sadd.s32 $0x200, s25;
	s7 =	sshll.u32 s9, $0x4  }
0x191: {  	s26 =	sadd.s32 $0x8, s26;
	s6 =	sadd.s32 $0x8, s6;
	s7 =	sand.u32 $0x1FFFFFF0, s7  }
0x192: {  	s23 =	sadd.s32 $0x8, s23;
	s5 =	sadd.s32 $0x200, s5;
	s7 =	sadd.s32 s4, s7  }
0x193: {  	[tilespmem:s29], [sflag:$0x10] =	stream.linear.gather [hbm4b:s7+s2], $0x80, $0x38;
	[tilespmem:$0x8F80] =	vst v63  }
.LBB2_5:
0x194: {  	_ =	sfence.sel $0x180000  }
0x195: {  	[bflag:$0x0] =	sbarrier.arrive $0xFFFF  }
0x196: {  	_ =	strace $0x90000047  }
0x197: {  	s0 =	stileid.u32;
	[bflag:$0x2] =	sbarrier.arrive $0xFFFF  }
0x198: {  	p0 =	sne.s32 s0, $0x0;
	s0 =	rddreg [dreg:$0x5]  }
0x199: {  	s0 =	sadd.s32 @!p0 $0x100000, s0  }
0x19a: {  	[sflag:s0] =	ssyncadd.tile.s32 @!p0 $0x1;
	_ =	shalt  }
.Lfunc_end2:
_tile_overlayer_lowered:
.L_overlay_start_2:
0x19b: {  	(tag) =	ssettag $0x2  }
0x19c: {  	s0 =	rddreg [dreg:$0x0];
	s2 =	stileid.u32  }
0x19d: {  	s1 =	rddreg [dreg:$0x1];
	p0 =	sne.s32 s2, $0x0  }
0x19e: {  	s3 =	rddreg [dreg:$0x2];
	[bflag:$0x3] =	sbarrier.arrive $0xFFFF;
	s2 =	simm.s32 @!p0 $0x1C11  }
0x19f: {  	[timem:s3], [sflag:s2] =	dma.local @!p0 [hbm:s0], s1  }
0x1a0: {  	s0 =	simm.s32 @!p0 $0x11  }
0x1a1: {  	_ =	swait.ge @!p0 [sflag:s0], s1  }
0x1a2: {  	s1 =	ssub.s32 @!p0 $0x0, s1;
	[sflag:s0] =	ssyncset.done @!p0 $0x0  }
0x1a3: {  	[sflag:s0] =	ssyncadd.s32 @!p0 s1  }
0x1a4: {  	[bflag:$0x3] =	sbarrier.arrive $0xFFFF  }
0x1a5: {  	_ =	shalt  }

</sc_bundles>
